<compile_context>
chip_gen: v7x
topology: tpu7x:2x2x1
jax: 0.10.2.dev20260603
libtpu: 0.0.44.dev20260713+nightly
codegen_flags: <defaults>
</compile_context>

<pallas_src>
import functools

import jax
import jax.numpy as jnp
from jax import lax
from jax.experimental import pallas as pl
from jax.experimental.pallas import tpu as pltpu
from jax.experimental.pallas import tpu_sc as plsc

DIM = 64
GAMMA = 12.0
L = 16
NCHUNK = DIM // L


def _lane_sum(acc):
    return jnp.sum(acc)


@functools.lru_cache(maxsize=None)
def _make_sc_kernel(B, NEG, interpret=False):
    NC, NS = 2, 16
    NW = NC * NS
    rows_pw = B // NW
    TPT = 128
    halves = NEG // TPT
    tasks_pw = rows_pw * halves

    mesh = plsc.VectorSubcoreMesh(
        core_axis_name="c", subcore_axis_name="s",
        num_cores=NC, num_subcores=NS)

    @functools.partial(
        pl.kernel,
        out_type=jax.ShapeDtypeStruct((B * halves, TPT), jnp.float32),
        mesh=mesh,
        interpret=interpret,
        compiler_params=pltpu.CompilerParams(
            needs_layout_passes=False, use_tc_tiling_on_sc=False),
        scratch_types=[
            pltpu.VMEM((rows_pw,), jnp.int32),
            pltpu.VMEM((rows_pw,), jnp.int32),
            pltpu.VMEM((rows_pw, DIM), jnp.float32),
            pltpu.VMEM((rows_pw, DIM), jnp.float32),
            pltpu.VMEM((tasks_pw, TPT), jnp.int32),
            pltpu.VMEM((TPT, DIM), jnp.float32),
            pltpu.VMEM((TPT, DIM), jnp.float32),
            pltpu.VMEM((TPT,), jnp.float32),
            pltpu.VMEM((TPT,), jnp.float32),
            pltpu.SemaphoreType.DMA,
            pltpu.SemaphoreType.DMA,
            pltpu.SemaphoreType.DMA,
            pltpu.SemaphoreType.DMA,
            pltpu.SemaphoreType.DMA,
        ],
    )
    def k(hidx_hbm, ridx_hbm, tidx_hbm, ent_hbm, rel_hbm, out_hbm,
          hidx_v, ridx_v, head_v, relv_v, tidx_v, tails0, tails1,
          scores0, scores1, gsem0, gsem1, osem0, osem1, psem):
        wid = lax.axis_index("s") * NC + lax.axis_index("c")
        base_row = wid * rows_pw
        base_task = wid * tasks_pw

        pltpu.sync_copy(hidx_hbm.at[pl.ds(base_row, rows_pw)], hidx_v)
        pltpu.sync_copy(ridx_hbm.at[pl.ds(base_row, rows_pw)], ridx_v)
        cp_t = pltpu.async_copy(
            tidx_hbm.at[pl.ds(base_task, tasks_pw)], tidx_v, psem)
        cp_h = pltpu.async_copy(ent_hbm.at[hidx_v], head_v, psem)
        cp_r = pltpu.async_copy(rel_hbm.at[ridx_v], relv_v, psem)
        cp_t.wait()
        cp_h.wait()
        cp_r.wait()

        def add_body(i, carry):
            for c in range(NCHUNK):
                sl = pl.ds(c * L, L)
                head_v[i, sl] = head_v[i, sl] + relv_v[i, sl]
            return carry
        lax.fori_loop(0, rows_pw, add_body, 0)

        pltpu.async_copy(ent_hbm.at[tidx_v.at[0]], tails0, gsem0)
        pltpu.async_copy(ent_hbm.at[tidx_v.at[1]], tails1, gsem1)

        lane_iota = lax.iota(jnp.int32, L)

        def run_task(i, par, tails, scores, gsem, osem):
            t = halves * i + par
            pltpu.make_async_copy(ent_hbm.at[tidx_v.at[t]], tails, gsem).wait()
            @pl.when(i > 0)
            def _():
                pltpu.make_async_copy(
                    scores, out_hbm.at[base_task], osem).wait()

            hr = [head_v[i, pl.ds(c * L, L)] for c in range(NCHUNK)]

            def group_body(g, carry):
                sbase = g * L
                svec = jnp.zeros((L,), jnp.float32)
                for j in range(L):
                    tt = sbase + j
                    acc = jnp.abs(hr[0] - tails[tt, pl.ds(0, L)])
                    for c in range(1, NCHUNK):
                        acc = acc + jnp.abs(hr[c] - tails[tt, pl.ds(c * L, L)])
                    s = GAMMA - _lane_sum(acc)
                    svec = jnp.where(lane_iota == j, s, svec)
                scores[pl.ds(sbase, L)] = svec
                return carry
            lax.fori_loop(0, TPT // L, group_body, 0)

            pltpu.async_copy(scores, out_hbm.at[base_task + t], osem)
            @pl.when(i < rows_pw - 1)
            def _():
                pltpu.async_copy(
                    ent_hbm.at[tidx_v.at[t + halves]], tails, gsem)

        def loop_body(i, carry):
            run_task(i, 0, tails0, scores0, gsem0, osem0)
            run_task(i, 1, tails1, scores1, gsem1, osem1)
            return carry
        lax.fori_loop(0, rows_pw, loop_body, 0)

        pltpu.make_async_copy(scores0, out_hbm.at[base_task], osem0).wait()
        pltpu.make_async_copy(scores1, out_hbm.at[base_task], osem1).wait()

    return k


def kernel(head_part, tail_part, relative_dist, entity_embedding,
           relation_embedding, relation_head, relation_tail):
    B, NEG = tail_part.shape
    h_idx = head_part[:, 0].astype(jnp.int32)
    r_idx = head_part[:, 1].astype(jnp.int32)
    tidx = tail_part.astype(jnp.int32).reshape(B * (NEG // 128), 128)
    k = _make_sc_kernel(B, NEG)
    out = k(h_idx, r_idx, tidx, entity_embedding, relation_embedding)
    return out.reshape(B, NEG)

# --- scband reference (transcript-rebuilt; emitter-appended) ---
"""Pipeline reference for scband-kgemodel-20323785245258 (READ-ONLY COPY).

The authoritative reference and input builder live on the scoring server;
editing this copy changes nothing except your own understanding.
"""

import jax, jax.numpy as jnp
import numpy as np

NENTITY = 1000000
NREL = 1000  # nrelation * 2
DIM = 64
GAMMA = 12.0
EPS = 2.0
EMB_RANGE = (GAMMA + EPS) / DIM
B = 1024
NEG = 256


def setup_inputs(seed: int = 0) -> dict:
    key = jax.random.key(seed)
    k1, k2, k3, k4, k5, k6, k7 = jax.random.split(key, 7)
    entity_embedding = jax.random.uniform(k1, (NENTITY, DIM), minval=-EMB_RANGE, maxval=EMB_RANGE, dtype=jnp.float32)
    relation_embedding = jax.random.uniform(k2, (NREL, DIM), minval=-EMB_RANGE, maxval=EMB_RANGE, dtype=jnp.float32)
    relation_head = jax.random.uniform(k3, (NREL, DIM), minval=-EMB_RANGE, maxval=EMB_RANGE, dtype=jnp.float32)
    relation_tail = jax.random.uniform(k4, (NREL, DIM), minval=-EMB_RANGE, maxval=EMB_RANGE, dtype=jnp.float32)
    head_part = jax.random.randint(k5, (B, 3), 0, NREL)  # all columns < NREL so entity/relation indices are both in range
    tail_part = jax.random.randint(k6, (B, NEG), 0, NENTITY)
    relative_dist = jax.random.normal(k7, (B,), dtype=jnp.float32)
    return {
        'head_part': head_part,
        'tail_part': tail_part,
        'relative_dist': relative_dist,
        'entity_embedding': entity_embedding,
        'relation_embedding': relation_embedding,
        'relation_head': relation_head,
        'relation_tail': relation_tail,
    }


def reference(head_part, tail_part, relative_dist, entity_embedding, relation_embedding, relation_head, relation_tail):
    # KGEModel.forward with mode='tail-batch', model_name='TransE'
    batch_size = tail_part.shape[0]
    neg = tail_part.shape[1]
    head = jnp.take(entity_embedding, head_part[:, 0], axis=0)[:, None, :]          # [B, 1, D]
    relation = jnp.take(relation_embedding, head_part[:, 1], axis=0)[:, None, :]    # [B, 1, D]
    rel_h = jnp.take(relation_head, head_part[:, 1], axis=0)[:, None, :]            # gathered in forward (unused by TransE score)
    rel_t = jnp.take(relation_tail, head_part[:, 1], axis=0)[:, None, :]            # gathered in forward (unused by TransE score)
    tail = jnp.take(entity_embedding, tail_part.reshape(-1), axis=0).reshape(batch_size, neg, -1)  # [B, NEG, D]
    # TransE, tail-batch branch: score = head + relation - tail
    score = head + relation - tail
    score = GAMMA - jnp.sum(jnp.abs(score), axis=2)  # L1 norm over dim 2
    return score

if __name__ == "__main__":
    import jax
    _d = setup_inputs()
    print(jax.jit(kernel)(*tuple(_d.values())))

</pallas_src>

<mosaic_0001>
#map = affine_map<(d0, d1) -> (0)>
#map1 = affine_map<(d0, d1) -> (0, 0)>
module attributes {stable_mosaic.version = 14 : i64} {
  func.func @k(%arg0: i32, %arg1: i32, %arg2: memref<1024xi32, #tpu.memory_space<hbm>>, %arg3: memref<1024xi32, #tpu.memory_space<hbm>>, %arg4: memref<2048x128xi32, #tpu.memory_space<hbm>>, %arg5: memref<1000000x64xf32, #tpu.memory_space<hbm>>, %arg6: memref<1000x64xf32, #tpu.memory_space<hbm>>, %arg7: memref<2048x128xf32, #tpu.memory_space<hbm>>, %arg8: memref<32xi32, #tpu.memory_space<vmem>>, %arg9: memref<32xi32, #tpu.memory_space<vmem>>, %arg10: memref<32x64xf32, #tpu.memory_space<vmem>>, %arg11: memref<32x64xf32, #tpu.memory_space<vmem>>, %arg12: memref<64x128xi32, #tpu.memory_space<vmem>>, %arg13: memref<128x64xf32, #tpu.memory_space<vmem>>, %arg14: memref<128x64xf32, #tpu.memory_space<vmem>>, %arg15: memref<128xf32, #tpu.memory_space<vmem>>, %arg16: memref<128xf32, #tpu.memory_space<vmem>>, %arg17: memref<!tpu.dma_semaphore, #tpu.memory_space<semaphore_mem>>, %arg18: memref<!tpu.dma_semaphore, #tpu.memory_space<semaphore_mem>>, %arg19: memref<!tpu.dma_semaphore, #tpu.memory_space<semaphore_mem>>, %arg20: memref<!tpu.dma_semaphore, #tpu.memory_space<semaphore_mem>>, %arg21: memref<!tpu.dma_semaphore, #tpu.memory_space<semaphore_mem>>) attributes {dimension_semantics = [#tpu.dimension_semantics<core_parallel>, #tpu.dimension_semantics<subcore_parallel>], iteration_bounds = array<i64: 2, 16>, scalar_prefetch = 0 : i64, scratch_operands = 14 : i64, tpu.core_type = #tpu.core_type<sc_vector_subcore>, window_params = [{transform_indices = #map}, {transform_indices = #map}, {transform_indices = #map1}, {transform_indices = #map1}, {transform_indices = #map1}, {transform_indices = #map1}]} {
    %mul3A = arith.constant 2 : i32
    %mul3A_0 = arith.muli %arg1, %mul3A : i32
    %add3A = arith.addi %mul3A_0, %arg0 : i32
    %mul3A_1 = arith.constant 32 : i32
    %mul3A_2 = arith.muli %add3A, %mul3A_1 : i32
    %mul3A_3 = arith.constant 64 : i32
    %mul3A_4 = arith.muli %add3A, %mul3A_3 : i32
    "tpu.region"() ({
      %run_scoped3A = tpu.sem_alloc : memref<!tpu.dma_semaphore, #tpu.memory_space<semaphore_mem>>
      %dma_start3A_60 = tpu.memref_slice %arg2[%mul3A_2] : memref<1024xi32, #tpu.memory_space<hbm>> -> memref<32xi32, #tpu.memory_space<hbm>>
      %dma_start3A_61 = tpu.memref_slice %arg2[%mul3A_2] : memref<1024xi32, #tpu.memory_space<hbm>> -> memref<32xi32, #tpu.memory_space<hbm>>
      tpu.enqueue_dma source(%dma_start3A_61 : memref<32xi32, #tpu.memory_space<hbm>>) target(%arg8 : memref<32xi32, #tpu.memory_space<vmem>>) target_semaphore(%run_scoped3A : memref<!tpu.dma_semaphore, #tpu.memory_space<semaphore_mem>>)
      %dma_wait3A_62 = tpu.memref_slice %arg2[%mul3A_2] : memref<1024xi32, #tpu.memory_space<hbm>> -> memref<32xi32, #tpu.memory_space<hbm>>
      %dma_wait3A_63 = tpu.memref_slice %arg2[%mul3A_2] : memref<1024xi32, #tpu.memory_space<hbm>> -> memref<32xi32, #tpu.memory_space<hbm>>
      tpu.wait_dma2 semaphore(%run_scoped3A : memref<!tpu.dma_semaphore, #tpu.memory_space<semaphore_mem>>) src(%dma_wait3A_63 : memref<32xi32, #tpu.memory_space<hbm>>) dst(%arg8 : memref<32xi32, #tpu.memory_space<vmem>>)
      tpu.yield
    }) : () -> ()
    "tpu.region"() ({
      %run_scoped3A = tpu.sem_alloc : memref<!tpu.dma_semaphore, #tpu.memory_space<semaphore_mem>>
      %dma_start3A_60 = tpu.memref_slice %arg3[%mul3A_2] : memref<1024xi32, #tpu.memory_space<hbm>> -> memref<32xi32, #tpu.memory_space<hbm>>
      %dma_start3A_61 = tpu.memref_slice %arg3[%mul3A_2] : memref<1024xi32, #tpu.memory_space<hbm>> -> memref<32xi32, #tpu.memory_space<hbm>>
      tpu.enqueue_dma source(%dma_start3A_61 : memref<32xi32, #tpu.memory_space<hbm>>) target(%arg9 : memref<32xi32, #tpu.memory_space<vmem>>) target_semaphore(%run_scoped3A : memref<!tpu.dma_semaphore, #tpu.memory_space<semaphore_mem>>)
      %dma_wait3A_62 = tpu.memref_slice %arg3[%mul3A_2] : memref<1024xi32, #tpu.memory_space<hbm>> -> memref<32xi32, #tpu.memory_space<hbm>>
      %dma_wait3A_63 = tpu.memref_slice %arg3[%mul3A_2] : memref<1024xi32, #tpu.memory_space<hbm>> -> memref<32xi32, #tpu.memory_space<hbm>>
      tpu.wait_dma2 semaphore(%run_scoped3A : memref<!tpu.dma_semaphore, #tpu.memory_space<semaphore_mem>>) src(%dma_wait3A_63 : memref<32xi32, #tpu.memory_space<hbm>>) dst(%arg9 : memref<32xi32, #tpu.memory_space<vmem>>)
      tpu.yield
    }) : () -> ()
    %dma_start3A = arith.constant 0 : i32
    %dma_start3A_5 = tpu.memref_slice %arg4[%mul3A_4, %dma_start3A] : memref<2048x128xi32, #tpu.memory_space<hbm>> -> memref<64x128xi32, #tpu.memory_space<hbm>>
    %dma_start3A_6 = arith.constant 0 : i32
    %dma_start3A_7 = tpu.memref_slice %arg4[%mul3A_4, %dma_start3A_6] : memref<2048x128xi32, #tpu.memory_space<hbm>> -> memref<64x128xi32, #tpu.memory_space<hbm>>
    tpu.enqueue_dma source(%dma_start3A_7 : memref<64x128xi32, #tpu.memory_space<hbm>>) target(%arg12 : memref<64x128xi32, #tpu.memory_space<vmem>>) target_semaphore(%arg21 : memref<!tpu.dma_semaphore, #tpu.memory_space<semaphore_mem>>)
    %dma_start3A_8 = arith.constant 0 : i32
    %dma_start3A_9 = arith.constant 0 : i32
    %dma_start3A_10 = tpu.memref_slice %arg5[%dma_start3A_8, %dma_start3A_9] : memref<1000000x64xf32, #tpu.memory_space<hbm>> -> memref<1000000x64xf32, #tpu.memory_space<hbm>>
    tpu.enqueue_indirect_dma source(%dma_start3A_10 : memref<1000000x64xf32, #tpu.memory_space<hbm>>) target(%arg10 : memref<32x64xf32, #tpu.memory_space<vmem>>) offsets(%arg8 : memref<32xi32, #tpu.memory_space<vmem>>) semaphore(%arg21 : memref<!tpu.dma_semaphore, #tpu.memory_space<semaphore_mem>>)
    %dma_start3A_11 = arith.constant 0 : i32
    %dma_start3A_12 = arith.constant 0 : i32
    %dma_start3A_13 = tpu.memref_slice %arg6[%dma_start3A_11, %dma_start3A_12] : memref<1000x64xf32, #tpu.memory_space<hbm>> -> memref<1000x64xf32, #tpu.memory_space<hbm>>
    tpu.enqueue_indirect_dma source(%dma_start3A_13 : memref<1000x64xf32, #tpu.memory_space<hbm>>) target(%arg11 : memref<32x64xf32, #tpu.memory_space<vmem>>) offsets(%arg9 : memref<32xi32, #tpu.memory_space<vmem>>) semaphore(%arg21 : memref<!tpu.dma_semaphore, #tpu.memory_space<semaphore_mem>>)
    %dma_wait3A = arith.constant 0 : i32
    %dma_wait3A_14 = tpu.memref_slice %arg4[%mul3A_4, %dma_wait3A] : memref<2048x128xi32, #tpu.memory_space<hbm>> -> memref<64x128xi32, #tpu.memory_space<hbm>>
    %dma_wait3A_15 = arith.constant 0 : i32
    %dma_wait3A_16 = tpu.memref_slice %arg4[%mul3A_4, %dma_wait3A_15] : memref<2048x128xi32, #tpu.memory_space<hbm>> -> memref<64x128xi32, #tpu.memory_space<hbm>>
    tpu.wait_dma2 semaphore(%arg21 : memref<!tpu.dma_semaphore, #tpu.memory_space<semaphore_mem>>) src(%dma_wait3A_16 : memref<64x128xi32, #tpu.memory_space<hbm>>) dst(%arg12 : memref<64x128xi32, #tpu.memory_space<vmem>>)
    %dma_wait3A_17 = arith.constant 0 : i32
    %dma_wait3A_18 = arith.constant 0 : i32
    %dma_wait3A_19 = tpu.memref_slice %arg5[%dma_wait3A_17, %dma_wait3A_18] : memref<1000000x64xf32, #tpu.memory_space<hbm>> -> memref<1000000x64xf32, #tpu.memory_space<hbm>>
    tpu.wait_indirect_dma semaphore(%arg21 : memref<!tpu.dma_semaphore, #tpu.memory_space<semaphore_mem>>) src(%dma_wait3A_19 : memref<1000000x64xf32, #tpu.memory_space<hbm>>) dst(%arg10 : memref<32x64xf32, #tpu.memory_space<vmem>>)
    %dma_wait3A_20 = arith.constant 0 : i32
    %dma_wait3A_21 = arith.constant 0 : i32
    %dma_wait3A_22 = tpu.memref_slice %arg6[%dma_wait3A_20, %dma_wait3A_21] : memref<1000x64xf32, #tpu.memory_space<hbm>> -> memref<1000x64xf32, #tpu.memory_space<hbm>>
    tpu.wait_indirect_dma semaphore(%arg21 : memref<!tpu.dma_semaphore, #tpu.memory_space<semaphore_mem>>) src(%dma_wait3A_22 : memref<1000x64xf32, #tpu.memory_space<hbm>>) dst(%arg11 : memref<32x64xf32, #tpu.memory_space<vmem>>)
    %scan3A = arith.constant 0 : i32
    %scan3A_23 = arith.constant 0 : i32
    %scan3A_24 = arith.constant 32 : i32
    %scan3A_25 = arith.addi %scan3A_23, %scan3A_24 : i32
    %scan3A_26 = arith.constant 1 : i32
    scf.for %scan3A_60 = %scan3A_23 to %scan3A_25 step %scan3A_26  : i32 {
      %get3A = arith.index_cast %scan3A_60 : i32 to index
      %get3A_61 = arith.constant 0 : index
      %get3A_62 = tpu.vector_load %arg10[%get3A, %get3A_61] {strides = array<i32>} : memref<32x64xf32, #tpu.memory_space<vmem>>, vector<16xf32>,
      %get3A_63 = arith.index_cast %scan3A_60 : i32 to index
      %get3A_64 = arith.constant 0 : index
      %get3A_65 = tpu.vector_load %arg11[%get3A_63, %get3A_64] {strides = array<i32>} : memref<32x64xf32, #tpu.memory_space<vmem>>, vector<16xf32>,
      %add3A_66 = arith.addf %get3A_62, %get3A_65 : vector<16xf32>
      %swap3A = arith.index_cast %scan3A_60 : i32 to index
      %swap3A_67 = arith.constant 0 : index
      %swap3A_68 = tpu.vector_load %arg10[%swap3A, %swap3A_67] {strides = array<i32>} : memref<32x64xf32, #tpu.memory_space<vmem>>, vector<16xf32>,
      tpu.vector_store %arg10[%swap3A, %swap3A_67], %add3A_66 {strides = array<i32>} : memref<32x64xf32, #tpu.memory_space<vmem>>, vector<16xf32>,
      %get3A_69 = arith.index_cast %scan3A_60 : i32 to index
      %get3A_70 = arith.constant 16 : index
      %get3A_71 = tpu.vector_load %arg10[%get3A_69, %get3A_70] {strides = array<i32>} : memref<32x64xf32, #tpu.memory_space<vmem>>, vector<16xf32>,
      %get3A_72 = arith.index_cast %scan3A_60 : i32 to index
      %get3A_73 = arith.constant 16 : index
      %get3A_74 = tpu.vector_load %arg11[%get3A_72, %get3A_73] {strides = array<i32>} : memref<32x64xf32, #tpu.memory_space<vmem>>, vector<16xf32>,
      %add3A_75 = arith.addf %get3A_71, %get3A_74 : vector<16xf32>
      %swap3A_76 = arith.index_cast %scan3A_60 : i32 to index
      %swap3A_77 = arith.constant 16 : index
      %swap3A_78 = tpu.vector_load %arg10[%swap3A_76, %swap3A_77] {strides = array<i32>} : memref<32x64xf32, #tpu.memory_space<vmem>>, vector<16xf32>,
      tpu.vector_store %arg10[%swap3A_76, %swap3A_77], %add3A_75 {strides = array<i32>} : memref<32x64xf32, #tpu.memory_space<vmem>>, vector<16xf32>,
      %get3A_79 = arith.index_cast %scan3A_60 : i32 to index
      %get3A_80 = arith.constant 32 : index
      %get3A_81 = tpu.vector_load %arg10[%get3A_79, %get3A_80] {strides = array<i32>} : memref<32x64xf32, #tpu.memory_space<vmem>>, vector<16xf32>,
      %get3A_82 = arith.index_cast %scan3A_60 : i32 to index
      %get3A_83 = arith.constant 32 : index
      %get3A_84 = tpu.vector_load %arg11[%get3A_82, %get3A_83] {strides = array<i32>} : memref<32x64xf32, #tpu.memory_space<vmem>>, vector<16xf32>,
      %add3A_85 = arith.addf %get3A_81, %get3A_84 : vector<16xf32>
      %swap3A_86 = arith.index_cast %scan3A_60 : i32 to index
      %swap3A_87 = arith.constant 32 : index
      %swap3A_88 = tpu.vector_load %arg10[%swap3A_86, %swap3A_87] {strides = array<i32>} : memref<32x64xf32, #tpu.memory_space<vmem>>, vector<16xf32>,
      tpu.vector_store %arg10[%swap3A_86, %swap3A_87], %add3A_85 {strides = array<i32>} : memref<32x64xf32, #tpu.memory_space<vmem>>, vector<16xf32>,
      %get3A_89 = arith.index_cast %scan3A_60 : i32 to index
      %get3A_90 = arith.constant 48 : index
      %get3A_91 = tpu.vector_load %arg10[%get3A_89, %get3A_90] {strides = array<i32>} : memref<32x64xf32, #tpu.memory_space<vmem>>, vector<16xf32>,
      %get3A_92 = arith.index_cast %scan3A_60 : i32 to index
      %get3A_93 = arith.constant 48 : index
      %get3A_94 = tpu.vector_load %arg11[%get3A_92, %get3A_93] {strides = array<i32>} : memref<32x64xf32, #tpu.memory_space<vmem>>, vector<16xf32>,
      %add3A_95 = arith.addf %get3A_91, %get3A_94 : vector<16xf32>
      %swap3A_96 = arith.index_cast %scan3A_60 : i32 to index
      %swap3A_97 = arith.constant 48 : index
      %swap3A_98 = tpu.vector_load %arg10[%swap3A_96, %swap3A_97] {strides = array<i32>} : memref<32x64xf32, #tpu.memory_space<vmem>>, vector<16xf32>,
      tpu.vector_store %arg10[%swap3A_96, %swap3A_97], %add3A_95 {strides = array<i32>} : memref<32x64xf32, #tpu.memory_space<vmem>>, vector<16xf32>,
    }
    %scan3A_27 = arith.constant 32 : i32
    %dma_start3A_28 = arith.constant 0 : i32
    %dma_start3A_29 = arith.constant 0 : i32
    %dma_start3A_30 = tpu.memref_slice %arg12[%dma_start3A_28, %dma_start3A_29] : memref<64x128xi32, #tpu.memory_space<vmem>> -> memref<1x128xi32, #tpu.memory_space<vmem>>
    %dma_start3A_31 = tpu.memref_squeeze %dma_start3A_30 : memref<1x128xi32, #tpu.memory_space<vmem>> -> memref<128xi32, #tpu.memory_space<vmem>>
    %dma_start3A_32 = arith.constant 0 : i32
    %dma_start3A_33 = arith.constant 0 : i32
    %dma_start3A_34 = tpu.memref_slice %arg5[%dma_start3A_32, %dma_start3A_33] : memref<1000000x64xf32, #tpu.memory_space<hbm>> -> memref<1000000x64xf32, #tpu.memory_space<hbm>>
    tpu.enqueue_indirect_dma source(%dma_start3A_34 : memref<1000000x64xf32, #tpu.memory_space<hbm>>) target(%arg13 : memref<128x64xf32, #tpu.memory_space<vmem>>) offsets(%dma_start3A_31 : memref<128xi32, #tpu.memory_space<vmem>>) semaphore(%arg17 : memref<!tpu.dma_semaphore, #tpu.memory_space<semaphore_mem>>)
    %dma_start3A_35 = arith.constant 1 : i32
    %dma_start3A_36 = arith.constant 0 : i32
    %dma_start3A_37 = tpu.memref_slice %arg12[%dma_start3A_35, %dma_start3A_36] : memref<64x128xi32, #tpu.memory_space<vmem>> -> memref<1x128xi32, #tpu.memory_space<vmem>>
    %dma_start3A_38 = tpu.memref_squeeze %dma_start3A_37 : memref<1x128xi32, #tpu.memory_space<vmem>> -> memref<128xi32, #tpu.memory_space<vmem>>
    %dma_start3A_39 = arith.constant 0 : i32
    %dma_start3A_40 = arith.constant 0 : i32
    %dma_start3A_41 = tpu.memref_slice %arg5[%dma_start3A_39, %dma_start3A_40] : memref<1000000x64xf32, #tpu.memory_space<hbm>> -> memref<1000000x64xf32, #tpu.memory_space<hbm>>
    tpu.enqueue_indirect_dma source(%dma_start3A_41 : memref<1000000x64xf32, #tpu.memory_space<hbm>>) target(%arg14 : memref<128x64xf32, #tpu.memory_space<vmem>>) offsets(%dma_start3A_38 : memref<128xi32, #tpu.memory_space<vmem>>) semaphore(%arg18 : memref<!tpu.dma_semaphore, #tpu.memory_space<semaphore_mem>>)
    %iota3A = tpu.iota {dimensions = array<i32: 0>} : vector<16xi32>
    %scan3A_42 = arith.constant 0 : i32
    %scan3A_43 = arith.constant 0 : i32
    %scan3A_44 = arith.constant 32 : i32
    %scan3A_45 = arith.addi %scan3A_43, %scan3A_44 : i32
    %scan3A_46 = arith.constant 1 : i32
    scf.for %scan3A_60 = %scan3A_43 to %scan3A_45 step %scan3A_46  : i32 {
      %mul3A_61 = arith.constant 2 : i32
      %mul3A_62 = arith.muli %mul3A_61, %scan3A_60 : i32
      %add3A_63 = arith.constant 0 : i32
      %add3A_64 = arith.addi %mul3A_62, %add3A_63 : i32
      %dma_wait3A_65 = arith.constant 0 : i32
      %dma_wait3A_66 = tpu.memref_slice %arg12[%add3A_64, %dma_wait3A_65] : memref<64x128xi32, #tpu.memory_space<vmem>> -> memref<1x128xi32, #tpu.memory_space<vmem>>
      %dma_wait3A_67 = tpu.memref_squeeze %dma_wait3A_66 : memref<1x128xi32, #tpu.memory_space<vmem>> -> memref<128xi32, #tpu.memory_space<vmem>>
      %dma_wait3A_68 = arith.constant 0 : i32
      %dma_wait3A_69 = arith.constant 0 : i32
      %dma_wait3A_70 = tpu.memref_slice %arg5[%dma_wait3A_68, %dma_wait3A_69] : memref<1000000x64xf32, #tpu.memory_space<hbm>> -> memref<1000000x64xf32, #tpu.memory_space<hbm>>
      tpu.wait_indirect_dma semaphore(%arg17 : memref<!tpu.dma_semaphore, #tpu.memory_space<semaphore_mem>>) src(%dma_wait3A_70 : memref<1000000x64xf32, #tpu.memory_space<hbm>>) dst(%arg13 : memref<128x64xf32, #tpu.memory_space<vmem>>)
      %gt3A = arith.constant 0 : i32
      %gt3A_71 = arith.cmpi sgt, %scan3A_60, %gt3A : i32
      %convert_element_type3A = arith.extui %gt3A_71 : i1 to i32
      %cond3A = arith.constant 0 : i32
      %cond3A_72 = arith.cmpi ne, %convert_element_type3A, %cond3A : i32
      scf.if %cond3A_72 {
        %dma_wait3A_146 = arith.constant 0 : i32
        %dma_wait3A_147 = tpu.memref_slice %arg7[%mul3A_4, %dma_wait3A_146] : memref<2048x128xf32, #tpu.memory_space<hbm>> -> memref<1x128xf32, #tpu.memory_space<hbm>>
        %dma_wait3A_148 = tpu.memref_squeeze %dma_wait3A_147 : memref<1x128xf32, #tpu.memory_space<hbm>> -> memref<128xf32, #tpu.memory_space<hbm>>
        %dma_wait3A_149 = arith.constant 0 : i32
        %dma_wait3A_150 = tpu.memref_slice %arg7[%mul3A_4, %dma_wait3A_149] : memref<2048x128xf32, #tpu.memory_space<hbm>> -> memref<1x128xf32, #tpu.memory_space<hbm>>
        %dma_wait3A_151 = tpu.memref_squeeze %dma_wait3A_150 : memref<1x128xf32, #tpu.memory_space<hbm>> -> memref<128xf32, #tpu.memory_space<hbm>>
        tpu.wait_dma2 semaphore(%arg19 : memref<!tpu.dma_semaphore, #tpu.memory_space<semaphore_mem>>) src(%arg15 : memref<128xf32, #tpu.memory_space<vmem>>) dst(%dma_wait3A_151 : memref<128xf32, #tpu.memory_space<hbm>>)
      } else {
      }
      %get3A = arith.index_cast %scan3A_60 : i32 to index
      %get3A_73 = arith.constant 0 : index
      %get3A_74 = tpu.vector_load %arg10[%get3A, %get3A_73] {strides = array<i32>} : memref<32x64xf32, #tpu.memory_space<vmem>>, vector<16xf32>,
      %get3A_75 = arith.index_cast %scan3A_60 : i32 to index
      %get3A_76 = arith.constant 16 : index
      %get3A_77 = tpu.vector_load %arg10[%get3A_75, %get3A_76] {strides = array<i32>} : memref<32x64xf32, #tpu.memory_space<vmem>>, vector<16xf32>,
      %get3A_78 = arith.index_cast %scan3A_60 : i32 to index
      %get3A_79 = arith.constant 32 : index
      %get3A_80 = tpu.vector_load %arg10[%get3A_78, %get3A_79] {strides = array<i32>} : memref<32x64xf32, #tpu.memory_space<vmem>>, vector<16xf32>,
      %get3A_81 = arith.index_cast %scan3A_60 : i32 to index
      %get3A_82 = arith.constant 48 : index
      %get3A_83 = tpu.vector_load %arg10[%get3A_81, %get3A_82] {strides = array<i32>} : memref<32x64xf32, #tpu.memory_space<vmem>>, vector<16xf32>,
      %scan3A_84 = arith.constant 0 : i32
      %scan3A_85 = arith.constant 0 : i32
      %scan3A_86 = arith.constant 8 : i32
      %scan3A_87 = arith.addi %scan3A_85, %scan3A_86 : i32
      %scan3A_88 = arith.constant 1 : i32
      scf.for %scan3A_146 = %scan3A_85 to %scan3A_87 step %scan3A_88  : i32 {
        %mul3A_147 = arith.constant 16 : i32
        %mul3A_148 = arith.muli %scan3A_146, %mul3A_147 : i32
        %broadcast_in_dim3A = arith.constant 0.000000e+00 : f32
        %broadcast_in_dim3A_149 = vector.broadcast %broadcast_in_dim3A : f32 to vector<16xf32>
        %add3A_150 = arith.constant 0 : i32
        %add3A_151 = arith.addi %mul3A_148, %add3A_150 : i32
        %get3A_152 = arith.index_cast %add3A_151 : i32 to index
        %get3A_153 = arith.constant 0 : index
        %get3A_154 = tpu.vector_load %arg13[%get3A_152, %get3A_153] {strides = array<i32>} : memref<128x64xf32, #tpu.memory_space<vmem>>, vector<16xf32>,
        %sub3A = arith.subf %get3A_74, %get3A_154 : vector<16xf32>
        %abs3A = math.absf %sub3A : vector<16xf32>
        %get3A_155 = arith.index_cast %add3A_151 : i32 to index
        %get3A_156 = arith.constant 16 : index
        %get3A_157 = tpu.vector_load %arg13[%get3A_155, %get3A_156] {strides = array<i32>} : memref<128x64xf32, #tpu.memory_space<vmem>>, vector<16xf32>,
        %sub3A_158 = arith.subf %get3A_77, %get3A_157 : vector<16xf32>
        %abs3A_159 = math.absf %sub3A_158 : vector<16xf32>
        %add3A_160 = arith.addf %abs3A, %abs3A_159 : vector<16xf32>
        %get3A_161 = arith.index_cast %add3A_151 : i32 to index
        %get3A_162 = arith.constant 32 : index
        %get3A_163 = tpu.vector_load %arg13[%get3A_161, %get3A_162] {strides = array<i32>} : memref<128x64xf32, #tpu.memory_space<vmem>>, vector<16xf32>,
        %sub3A_164 = arith.subf %get3A_80, %get3A_163 : vector<16xf32>
        %abs3A_165 = math.absf %sub3A_164 : vector<16xf32>
        %add3A_166 = arith.addf %add3A_160, %abs3A_165 : vector<16xf32>
        %get3A_167 = arith.index_cast %add3A_151 : i32 to index
        %get3A_168 = arith.constant 48 : index
        %get3A_169 = tpu.vector_load %arg13[%get3A_167, %get3A_168] {strides = array<i32>} : memref<128x64xf32, #tpu.memory_space<vmem>>, vector<16xf32>,
        %sub3A_170 = arith.subf %get3A_83, %get3A_169 : vector<16xf32>
        %abs3A_171 = math.absf %sub3A_170 : vector<16xf32>
        %add3A_172 = arith.addf %add3A_166, %abs3A_171 : vector<16xf32>
        %reduce_sum3A = arith.constant true
        %reduce_sum3A_173 = vector.broadcast %reduce_sum3A : i1 to vector<16xi1>
        %reduce_sum3A_174 = tpu.scan <sum>, %add3A_172 masked %reduce_sum3A_173 : vector<16xf32>, vector<16xi1> -> vector<16xf32>
        %reduce_sum3A_175 = vector.extract %reduce_sum3A_174[15] : f32 from vector<16xf32>
        %sub3A_176 = arith.constant 1.200000e+01 : f32
        %sub3A_177 = arith.subf %sub3A_176, %reduce_sum3A_175 : f32
        %eq3A = arith.constant 0 : i32
        %eq3A_178 = vector.broadcast %eq3A : i32 to vector<16xi32>
        %eq3A_179 = arith.cmpi eq, %iota3A, %eq3A_178 : vector<16xi32>
        %broadcast_in_dim3A_180 = vector.broadcast %sub3A_177 : f32 to vector<16xf32>
        %select_n3A = arith.select %eq3A_179, %broadcast_in_dim3A_180, %broadcast_in_dim3A_149 : vector<16xi1>, vector<16xf32>
        %add3A_181 = arith.constant 1 : i32
        %add3A_182 = arith.addi %mul3A_148, %add3A_181 : i32
        %get3A_183 = arith.index_cast %add3A_182 : i32 to index
        %get3A_184 = arith.constant 0 : index
        %get3A_185 = tpu.vector_load %arg13[%get3A_183, %get3A_184] {strides = array<i32>} : memref<128x64xf32, #tpu.memory_space<vmem>>, vector<16xf32>,
        %sub3A_186 = arith.subf %get3A_74, %get3A_185 : vector<16xf32>
        %abs3A_187 = math.absf %sub3A_186 : vector<16xf32>
        %get3A_188 = arith.index_cast %add3A_182 : i32 to index
        %get3A_189 = arith.constant 16 : index
        %get3A_190 = tpu.vector_load %arg13[%get3A_188, %get3A_189] {strides = array<i32>} : memref<128x64xf32, #tpu.memory_space<vmem>>, vector<16xf32>,
        %sub3A_191 = arith.subf %get3A_77, %get3A_190 : vector<16xf32>
        %abs3A_192 = math.absf %sub3A_191 : vector<16xf32>
        %add3A_193 = arith.addf %abs3A_187, %abs3A_192 : vector<16xf32>
        %get3A_194 = arith.index_cast %add3A_182 : i32 to index
        %get3A_195 = arith.constant 32 : index
        %get3A_196 = tpu.vector_load %arg13[%get3A_194, %get3A_195] {strides = array<i32>} : memref<128x64xf32, #tpu.memory_space<vmem>>, vector<16xf32>,
        %sub3A_197 = arith.subf %get3A_80, %get3A_196 : vector<16xf32>
        %abs3A_198 = math.absf %sub3A_197 : vector<16xf32>
        %add3A_199 = arith.addf %add3A_193, %abs3A_198 : vector<16xf32>
        %get3A_200 = arith.index_cast %add3A_182 : i32 to index
        %get3A_201 = arith.constant 48 : index
        %get3A_202 = tpu.vector_load %arg13[%get3A_200, %get3A_201] {strides = array<i32>} : memref<128x64xf32, #tpu.memory_space<vmem>>, vector<16xf32>,
        %sub3A_203 = arith.subf %get3A_83, %get3A_202 : vector<16xf32>
        %abs3A_204 = math.absf %sub3A_203 : vector<16xf32>
        %add3A_205 = arith.addf %add3A_199, %abs3A_204 : vector<16xf32>
        %reduce_sum3A_206 = arith.constant true
        %reduce_sum3A_207 = vector.broadcast %reduce_sum3A_206 : i1 to vector<16xi1>
        %reduce_sum3A_208 = tpu.scan <sum>, %add3A_205 masked %reduce_sum3A_207 : vector<16xf32>, vector<16xi1> -> vector<16xf32>
        %reduce_sum3A_209 = vector.extract %reduce_sum3A_208[15] : f32 from vector<16xf32>
        %sub3A_210 = arith.constant 1.200000e+01 : f32
        %sub3A_211 = arith.subf %sub3A_210, %reduce_sum3A_209 : f32
        %eq3A_212 = arith.constant 1 : i32
        %eq3A_213 = vector.broadcast %eq3A_212 : i32 to vector<16xi32>
        %eq3A_214 = arith.cmpi eq, %iota3A, %eq3A_213 : vector<16xi32>
        %broadcast_in_dim3A_215 = vector.broadcast %sub3A_211 : f32 to vector<16xf32>
        %select_n3A_216 = arith.select %eq3A_214, %broadcast_in_dim3A_215, %select_n3A : vector<16xi1>, vector<16xf32>
        %add3A_217 = arith.constant 2 : i32
        %add3A_218 = arith.addi %mul3A_148, %add3A_217 : i32
        %get3A_219 = arith.index_cast %add3A_218 : i32 to index
        %get3A_220 = arith.constant 0 : index
        %get3A_221 = tpu.vector_load %arg13[%get3A_219, %get3A_220] {strides = array<i32>} : memref<128x64xf32, #tpu.memory_space<vmem>>, vector<16xf32>,
        %sub3A_222 = arith.subf %get3A_74, %get3A_221 : vector<16xf32>
        %abs3A_223 = math.absf %sub3A_222 : vector<16xf32>
        %get3A_224 = arith.index_cast %add3A_218 : i32 to index
        %get3A_225 = arith.constant 16 : index
        %get3A_226 = tpu.vector_load %arg13[%get3A_224, %get3A_225] {strides = array<i32>} : memref<128x64xf32, #tpu.memory_space<vmem>>, vector<16xf32>,
        %sub3A_227 = arith.subf %get3A_77, %get3A_226 : vector<16xf32>
        %abs3A_228 = math.absf %sub3A_227 : vector<16xf32>
        %add3A_229 = arith.addf %abs3A_223, %abs3A_228 : vector<16xf32>
        %get3A_230 = arith.index_cast %add3A_218 : i32 to index
        %get3A_231 = arith.constant 32 : index
        %get3A_232 = tpu.vector_load %arg13[%get3A_230, %get3A_231] {strides = array<i32>} : memref<128x64xf32, #tpu.memory_space<vmem>>, vector<16xf32>,
        %sub3A_233 = arith.subf %get3A_80, %get3A_232 : vector<16xf32>
        %abs3A_234 = math.absf %sub3A_233 : vector<16xf32>
        %add3A_235 = arith.addf %add3A_229, %abs3A_234 : vector<16xf32>
        %get3A_236 = arith.index_cast %add3A_218 : i32 to index
        %get3A_237 = arith.constant 48 : index
        %get3A_238 = tpu.vector_load %arg13[%get3A_236, %get3A_237] {strides = array<i32>} : memref<128x64xf32, #tpu.memory_space<vmem>>, vector<16xf32>,
        %sub3A_239 = arith.subf %get3A_83, %get3A_238 : vector<16xf32>
        %abs3A_240 = math.absf %sub3A_239 : vector<16xf32>
        %add3A_241 = arith.addf %add3A_235, %abs3A_240 : vector<16xf32>
        %reduce_sum3A_242 = arith.constant true
        %reduce_sum3A_243 = vector.broadcast %reduce_sum3A_242 : i1 to vector<16xi1>
        %reduce_sum3A_244 = tpu.scan <sum>, %add3A_241 masked %reduce_sum3A_243 : vector<16xf32>, vector<16xi1> -> vector<16xf32>
        %reduce_sum3A_245 = vector.extract %reduce_sum3A_244[15] : f32 from vector<16xf32>
        %sub3A_246 = arith.constant 1.200000e+01 : f32
        %sub3A_247 = arith.subf %sub3A_246, %reduce_sum3A_245 : f32
        %eq3A_248 = arith.constant 2 : i32
        %eq3A_249 = vector.broadcast %eq3A_248 : i32 to vector<16xi32>
        %eq3A_250 = arith.cmpi eq, %iota3A, %eq3A_249 : vector<16xi32>
        %broadcast_in_dim3A_251 = vector.broadcast %sub3A_247 : f32 to vector<16xf32>
        %select_n3A_252 = arith.select %eq3A_250, %broadcast_in_dim3A_251, %select_n3A_216 : vector<16xi1>, vector<16xf32>
        %add3A_253 = arith.constant 3 : i32
        %add3A_254 = arith.addi %mul3A_148, %add3A_253 : i32
        %get3A_255 = arith.index_cast %add3A_254 : i32 to index
        %get3A_256 = arith.constant 0 : index
        %get3A_257 = tpu.vector_load %arg13[%get3A_255, %get3A_256] {strides = array<i32>} : memref<128x64xf32, #tpu.memory_space<vmem>>, vector<16xf32>,
        %sub3A_258 = arith.subf %get3A_74, %get3A_257 : vector<16xf32>
        %abs3A_259 = math.absf %sub3A_258 : vector<16xf32>
        %get3A_260 = arith.index_cast %add3A_254 : i32 to index
        %get3A_261 = arith.constant 16 : index
        %get3A_262 = tpu.vector_load %arg13[%get3A_260, %get3A_261] {strides = array<i32>} : memref<128x64xf32, #tpu.memory_space<vmem>>, vector<16xf32>,
        %sub3A_263 = arith.subf %get3A_77, %get3A_262 : vector<16xf32>
        %abs3A_264 = math.absf %sub3A_263 : vector<16xf32>
        %add3A_265 = arith.addf %abs3A_259, %abs3A_264 : vector<16xf32>
        %get3A_266 = arith.index_cast %add3A_254 : i32 to index
        %get3A_267 = arith.constant 32 : index
        %get3A_268 = tpu.vector_load %arg13[%get3A_266, %get3A_267] {strides = array<i32>} : memref<128x64xf32, #tpu.memory_space<vmem>>, vector<16xf32>,
        %sub3A_269 = arith.subf %get3A_80, %get3A_268 : vector<16xf32>
        %abs3A_270 = math.absf %sub3A_269 : vector<16xf32>
        %add3A_271 = arith.addf %add3A_265, %abs3A_270 : vector<16xf32>
        %get3A_272 = arith.index_cast %add3A_254 : i32 to index
        %get3A_273 = arith.constant 48 : index
        %get3A_274 = tpu.vector_load %arg13[%get3A_272, %get3A_273] {strides = array<i32>} : memref<128x64xf32, #tpu.memory_space<vmem>>, vector<16xf32>,
        %sub3A_275 = arith.subf %get3A_83, %get3A_274 : vector<16xf32>
        %abs3A_276 = math.absf %sub3A_275 : vector<16xf32>
        %add3A_277 = arith.addf %add3A_271, %abs3A_276 : vector<16xf32>
        %reduce_sum3A_278 = arith.constant true
        %reduce_sum3A_279 = vector.broadcast %reduce_sum3A_278 : i1 to vector<16xi1>
        %reduce_sum3A_280 = tpu.scan <sum>, %add3A_277 masked %reduce_sum3A_279 : vector<16xf32>, vector<16xi1> -> vector<16xf32>
        %reduce_sum3A_281 = vector.extract %reduce_sum3A_280[15] : f32 from vector<16xf32>
        %sub3A_282 = arith.constant 1.200000e+01 : f32
        %sub3A_283 = arith.subf %sub3A_282, %reduce_sum3A_281 : f32
        %eq3A_284 = arith.constant 3 : i32
        %eq3A_285 = vector.broadcast %eq3A_284 : i32 to vector<16xi32>
        %eq3A_286 = arith.cmpi eq, %iota3A, %eq3A_285 : vector<16xi32>
        %broadcast_in_dim3A_287 = vector.broadcast %sub3A_283 : f32 to vector<16xf32>
        %select_n3A_288 = arith.select %eq3A_286, %broadcast_in_dim3A_287, %select_n3A_252 : vector<16xi1>, vector<16xf32>
        %add3A_289 = arith.constant 4 : i32
        %add3A_290 = arith.addi %mul3A_148, %add3A_289 : i32
        %get3A_291 = arith.index_cast %add3A_290 : i32 to index
        %get3A_292 = arith.constant 0 : index
        %get3A_293 = tpu.vector_load %arg13[%get3A_291, %get3A_292] {strides = array<i32>} : memref<128x64xf32, #tpu.memory_space<vmem>>, vector<16xf32>,
        %sub3A_294 = arith.subf %get3A_74, %get3A_293 : vector<16xf32>
        %abs3A_295 = math.absf %sub3A_294 : vector<16xf32>
        %get3A_296 = arith.index_cast %add3A_290 : i32 to index
        %get3A_297 = arith.constant 16 : index
        %get3A_298 = tpu.vector_load %arg13[%get3A_296, %get3A_297] {strides = array<i32>} : memref<128x64xf32, #tpu.memory_space<vmem>>, vector<16xf32>,
        %sub3A_299 = arith.subf %get3A_77, %get3A_298 : vector<16xf32>
        %abs3A_300 = math.absf %sub3A_299 : vector<16xf32>
        %add3A_301 = arith.addf %abs3A_295, %abs3A_300 : vector<16xf32>
        %get3A_302 = arith.index_cast %add3A_290 : i32 to index
        %get3A_303 = arith.constant 32 : index
        %get3A_304 = tpu.vector_load %arg13[%get3A_302, %get3A_303] {strides = array<i32>} : memref<128x64xf32, #tpu.memory_space<vmem>>, vector<16xf32>,
        %sub3A_305 = arith.subf %get3A_80, %get3A_304 : vector<16xf32>
        %abs3A_306 = math.absf %sub3A_305 : vector<16xf32>
        %add3A_307 = arith.addf %add3A_301, %abs3A_306 : vector<16xf32>
        %get3A_308 = arith.index_cast %add3A_290 : i32 to index
        %get3A_309 = arith.constant 48 : index
        %get3A_310 = tpu.vector_load %arg13[%get3A_308, %get3A_309] {strides = array<i32>} : memref<128x64xf32, #tpu.memory_space<vmem>>, vector<16xf32>,
        %sub3A_311 = arith.subf %get3A_83, %get3A_310 : vector<16xf32>
        %abs3A_312 = math.absf %sub3A_311 : vector<16xf32>
        %add3A_313 = arith.addf %add3A_307, %abs3A_312 : vector<16xf32>
        %reduce_sum3A_314 = arith.constant true
        %reduce_sum3A_315 = vector.broadcast %reduce_sum3A_314 : i1 to vector<16xi1>
        %reduce_sum3A_316 = tpu.scan <sum>, %add3A_313 masked %reduce_sum3A_315 : vector<16xf32>, vector<16xi1> -> vector<16xf32>
        %reduce_sum3A_317 = vector.extract %reduce_sum3A_316[15] : f32 from vector<16xf32>
        %sub3A_318 = arith.constant 1.200000e+01 : f32
        %sub3A_319 = arith.subf %sub3A_318, %reduce_sum3A_317 : f32
        %eq3A_320 = arith.constant 4 : i32
        %eq3A_321 = vector.broadcast %eq3A_320 : i32 to vector<16xi32>
        %eq3A_322 = arith.cmpi eq, %iota3A, %eq3A_321 : vector<16xi32>
        %broadcast_in_dim3A_323 = vector.broadcast %sub3A_319 : f32 to vector<16xf32>
        %select_n3A_324 = arith.select %eq3A_322, %broadcast_in_dim3A_323, %select_n3A_288 : vector<16xi1>, vector<16xf32>
        %add3A_325 = arith.constant 5 : i32
        %add3A_326 = arith.addi %mul3A_148, %add3A_325 : i32
        %get3A_327 = arith.index_cast %add3A_326 : i32 to index
        %get3A_328 = arith.constant 0 : index
        %get3A_329 = tpu.vector_load %arg13[%get3A_327, %get3A_328] {strides = array<i32>} : memref<128x64xf32, #tpu.memory_space<vmem>>, vector<16xf32>,
        %sub3A_330 = arith.subf %get3A_74, %get3A_329 : vector<16xf32>
        %abs3A_331 = math.absf %sub3A_330 : vector<16xf32>
        %get3A_332 = arith.index_cast %add3A_326 : i32 to index
        %get3A_333 = arith.constant 16 : index
        %get3A_334 = tpu.vector_load %arg13[%get3A_332, %get3A_333] {strides = array<i32>} : memref<128x64xf32, #tpu.memory_space<vmem>>, vector<16xf32>,
        %sub3A_335 = arith.subf %get3A_77, %get3A_334 : vector<16xf32>
        %abs3A_336 = math.absf %sub3A_335 : vector<16xf32>
        %add3A_337 = arith.addf %abs3A_331, %abs3A_336 : vector<16xf32>
        %get3A_338 = arith.index_cast %add3A_326 : i32 to index
        %get3A_339 = arith.constant 32 : index
        %get3A_340 = tpu.vector_load %arg13[%get3A_338, %get3A_339] {strides = array<i32>} : memref<128x64xf32, #tpu.memory_space<vmem>>, vector<16xf32>,
        %sub3A_341 = arith.subf %get3A_80, %get3A_340 : vector<16xf32>
        %abs3A_342 = math.absf %sub3A_341 : vector<16xf32>
        %add3A_343 = arith.addf %add3A_337, %abs3A_342 : vector<16xf32>
        %get3A_344 = arith.index_cast %add3A_326 : i32 to index
        %get3A_345 = arith.constant 48 : index
        %get3A_346 = tpu.vector_load %arg13[%get3A_344, %get3A_345] {strides = array<i32>} : memref<128x64xf32, #tpu.memory_space<vmem>>, vector<16xf32>,
        %sub3A_347 = arith.subf %get3A_83, %get3A_346 : vector<16xf32>
        %abs3A_348 = math.absf %sub3A_347 : vector<16xf32>
        %add3A_349 = arith.addf %add3A_343, %abs3A_348 : vector<16xf32>
        %reduce_sum3A_350 = arith.constant true
        %reduce_sum3A_351 = vector.broadcast %reduce_sum3A_350 : i1 to vector<16xi1>
        %reduce_sum3A_352 = tpu.scan <sum>, %add3A_349 masked %reduce_sum3A_351 : vector<16xf32>, vector<16xi1> -> vector<16xf32>
        %reduce_sum3A_353 = vector.extract %reduce_sum3A_352[15] : f32 from vector<16xf32>
        %sub3A_354 = arith.constant 1.200000e+01 : f32
        %sub3A_355 = arith.subf %sub3A_354, %reduce_sum3A_353 : f32
        %eq3A_356 = arith.constant 5 : i32
        %eq3A_357 = vector.broadcast %eq3A_356 : i32 to vector<16xi32>
        %eq3A_358 = arith.cmpi eq, %iota3A, %eq3A_357 : vector<16xi32>
        %broadcast_in_dim3A_359 = vector.broadcast %sub3A_355 : f32 to vector<16xf32>
        %select_n3A_360 = arith.select %eq3A_358, %broadcast_in_dim3A_359, %select_n3A_324 : vector<16xi1>, vector<16xf32>
        %add3A_361 = arith.constant 6 : i32
        %add3A_362 = arith.addi %mul3A_148, %add3A_361 : i32
        %get3A_363 = arith.index_cast %add3A_362 : i32 to index
        %get3A_364 = arith.constant 0 : index
        %get3A_365 = tpu.vector_load %arg13[%get3A_363, %get3A_364] {strides = array<i32>} : memref<128x64xf32, #tpu.memory_space<vmem>>, vector<16xf32>,
        %sub3A_366 = arith.subf %get3A_74, %get3A_365 : vector<16xf32>
        %abs3A_367 = math.absf %sub3A_366 : vector<16xf32>
        %get3A_368 = arith.index_cast %add3A_362 : i32 to index
        %get3A_369 = arith.constant 16 : index
        %get3A_370 = tpu.vector_load %arg13[%get3A_368, %get3A_369] {strides = array<i32>} : memref<128x64xf32, #tpu.memory_space<vmem>>, vector<16xf32>,
        %sub3A_371 = arith.subf %get3A_77, %get3A_370 : vector<16xf32>
        %abs3A_372 = math.absf %sub3A_371 : vector<16xf32>
        %add3A_373 = arith.addf %abs3A_367, %abs3A_372 : vector<16xf32>
        %get3A_374 = arith.index_cast %add3A_362 : i32 to index
        %get3A_375 = arith.constant 32 : index
        %get3A_376 = tpu.vector_load %arg13[%get3A_374, %get3A_375] {strides = array<i32>} : memref<128x64xf32, #tpu.memory_space<vmem>>, vector<16xf32>,
        %sub3A_377 = arith.subf %get3A_80, %get3A_376 : vector<16xf32>
        %abs3A_378 = math.absf %sub3A_377 : vector<16xf32>
        %add3A_379 = arith.addf %add3A_373, %abs3A_378 : vector<16xf32>
        %get3A_380 = arith.index_cast %add3A_362 : i32 to index
        %get3A_381 = arith.constant 48 : index
        %get3A_382 = tpu.vector_load %arg13[%get3A_380, %get3A_381] {strides = array<i32>} : memref<128x64xf32, #tpu.memory_space<vmem>>, vector<16xf32>,
        %sub3A_383 = arith.subf %get3A_83, %get3A_382 : vector<16xf32>
        %abs3A_384 = math.absf %sub3A_383 : vector<16xf32>
        %add3A_385 = arith.addf %add3A_379, %abs3A_384 : vector<16xf32>
        %reduce_sum3A_386 = arith.constant true
        %reduce_sum3A_387 = vector.broadcast %reduce_sum3A_386 : i1 to vector<16xi1>
        %reduce_sum3A_388 = tpu.scan <sum>, %add3A_385 masked %reduce_sum3A_387 : vector<16xf32>, vector<16xi1> -> vector<16xf32>
        %reduce_sum3A_389 = vector.extract %reduce_sum3A_388[15] : f32 from vector<16xf32>
        %sub3A_390 = arith.constant 1.200000e+01 : f32
        %sub3A_391 = arith.subf %sub3A_390, %reduce_sum3A_389 : f32
        %eq3A_392 = arith.constant 6 : i32
        %eq3A_393 = vector.broadcast %eq3A_392 : i32 to vector<16xi32>
        %eq3A_394 = arith.cmpi eq, %iota3A, %eq3A_393 : vector<16xi32>
        %broadcast_in_dim3A_395 = vector.broadcast %sub3A_391 : f32 to vector<16xf32>
        %select_n3A_396 = arith.select %eq3A_394, %broadcast_in_dim3A_395, %select_n3A_360 : vector<16xi1>, vector<16xf32>
        %add3A_397 = arith.constant 7 : i32
        %add3A_398 = arith.addi %mul3A_148, %add3A_397 : i32
        %get3A_399 = arith.index_cast %add3A_398 : i32 to index
        %get3A_400 = arith.constant 0 : index
        %get3A_401 = tpu.vector_load %arg13[%get3A_399, %get3A_400] {strides = array<i32>} : memref<128x64xf32, #tpu.memory_space<vmem>>, vector<16xf32>,
        %sub3A_402 = arith.subf %get3A_74, %get3A_401 : vector<16xf32>
        %abs3A_403 = math.absf %sub3A_402 : vector<16xf32>
        %get3A_404 = arith.index_cast %add3A_398 : i32 to index
        %get3A_405 = arith.constant 16 : index
        %get3A_406 = tpu.vector_load %arg13[%get3A_404, %get3A_405] {strides = array<i32>} : memref<128x64xf32, #tpu.memory_space<vmem>>, vector<16xf32>,
        %sub3A_407 = arith.subf %get3A_77, %get3A_406 : vector<16xf32>
        %abs3A_408 = math.absf %sub3A_407 : vector<16xf32>
        %add3A_409 = arith.addf %abs3A_403, %abs3A_408 : vector<16xf32>
        %get3A_410 = arith.index_cast %add3A_398 : i32 to index
        %get3A_411 = arith.constant 32 : index
        %get3A_412 = tpu.vector_load %arg13[%get3A_410, %get3A_411] {strides = array<i32>} : memref<128x64xf32, #tpu.memory_space<vmem>>, vector<16xf32>,
        %sub3A_413 = arith.subf %get3A_80, %get3A_412 : vector<16xf32>
        %abs3A_414 = math.absf %sub3A_413 : vector<16xf32>
        %add3A_415 = arith.addf %add3A_409, %abs3A_414 : vector<16xf32>
        %get3A_416 = arith.index_cast %add3A_398 : i32 to index
        %get3A_417 = arith.constant 48 : index
        %get3A_418 = tpu.vector_load %arg13[%get3A_416, %get3A_417] {strides = array<i32>} : memref<128x64xf32, #tpu.memory_space<vmem>>, vector<16xf32>,
        %sub3A_419 = arith.subf %get3A_83, %get3A_418 : vector<16xf32>
        %abs3A_420 = math.absf %sub3A_419 : vector<16xf32>
        %add3A_421 = arith.addf %add3A_415, %abs3A_420 : vector<16xf32>
        %reduce_sum3A_422 = arith.constant true
        %reduce_sum3A_423 = vector.broadcast %reduce_sum3A_422 : i1 to vector<16xi1>
        %reduce_sum3A_424 = tpu.scan <sum>, %add3A_421 masked %reduce_sum3A_423 : vector<16xf32>, vector<16xi1> -> vector<16xf32>
        %reduce_sum3A_425 = vector.extract %reduce_sum3A_424[15] : f32 from vector<16xf32>
        %sub3A_426 = arith.constant 1.200000e+01 : f32
        %sub3A_427 = arith.subf %sub3A_426, %reduce_sum3A_425 : f32
        %eq3A_428 = arith.constant 7 : i32
        %eq3A_429 = vector.broadcast %eq3A_428 : i32 to vector<16xi32>
        %eq3A_430 = arith.cmpi eq, %iota3A, %eq3A_429 : vector<16xi32>
        %broadcast_in_dim3A_431 = vector.broadcast %sub3A_427 : f32 to vector<16xf32>
        %select_n3A_432 = arith.select %eq3A_430, %broadcast_in_dim3A_431, %select_n3A_396 : vector<16xi1>, vector<16xf32>
        %add3A_433 = arith.constant 8 : i32
        %add3A_434 = arith.addi %mul3A_148, %add3A_433 : i32
        %get3A_435 = arith.index_cast %add3A_434 : i32 to index
        %get3A_436 = arith.constant 0 : index
        %get3A_437 = tpu.vector_load %arg13[%get3A_435, %get3A_436] {strides = array<i32>} : memref<128x64xf32, #tpu.memory_space<vmem>>, vector<16xf32>,
        %sub3A_438 = arith.subf %get3A_74, %get3A_437 : vector<16xf32>
        %abs3A_439 = math.absf %sub3A_438 : vector<16xf32>
        %get3A_440 = arith.index_cast %add3A_434 : i32 to index
        %get3A_441 = arith.constant 16 : index
        %get3A_442 = tpu.vector_load %arg13[%get3A_440, %get3A_441] {strides = array<i32>} : memref<128x64xf32, #tpu.memory_space<vmem>>, vector<16xf32>,
        %sub3A_443 = arith.subf %get3A_77, %get3A_442 : vector<16xf32>
        %abs3A_444 = math.absf %sub3A_443 : vector<16xf32>
        %add3A_445 = arith.addf %abs3A_439, %abs3A_444 : vector<16xf32>
        %get3A_446 = arith.index_cast %add3A_434 : i32 to index
        %get3A_447 = arith.constant 32 : index
        %get3A_448 = tpu.vector_load %arg13[%get3A_446, %get3A_447] {strides = array<i32>} : memref<128x64xf32, #tpu.memory_space<vmem>>, vector<16xf32>,
        %sub3A_449 = arith.subf %get3A_80, %get3A_448 : vector<16xf32>
        %abs3A_450 = math.absf %sub3A_449 : vector<16xf32>
        %add3A_451 = arith.addf %add3A_445, %abs3A_450 : vector<16xf32>
        %get3A_452 = arith.index_cast %add3A_434 : i32 to index
        %get3A_453 = arith.constant 48 : index
        %get3A_454 = tpu.vector_load %arg13[%get3A_452, %get3A_453] {strides = array<i32>} : memref<128x64xf32, #tpu.memory_space<vmem>>, vector<16xf32>,
        %sub3A_455 = arith.subf %get3A_83, %get3A_454 : vector<16xf32>
        %abs3A_456 = math.absf %sub3A_455 : vector<16xf32>
        %add3A_457 = arith.addf %add3A_451, %abs3A_456 : vector<16xf32>
        %reduce_sum3A_458 = arith.constant true
        %reduce_sum3A_459 = vector.broadcast %reduce_sum3A_458 : i1 to vector<16xi1>
        %reduce_sum3A_460 = tpu.scan <sum>, %add3A_457 masked %reduce_sum3A_459 : vector<16xf32>, vector<16xi1> -> vector<16xf32>
        %reduce_sum3A_461 = vector.extract %reduce_sum3A_460[15] : f32 from vector<16xf32>
        %sub3A_462 = arith.constant 1.200000e+01 : f32
        %sub3A_463 = arith.subf %sub3A_462, %reduce_sum3A_461 : f32
        %eq3A_464 = arith.constant 8 : i32
        %eq3A_465 = vector.broadcast %eq3A_464 : i32 to vector<16xi32>
        %eq3A_466 = arith.cmpi eq, %iota3A, %eq3A_465 : vector<16xi32>
        %broadcast_in_dim3A_467 = vector.broadcast %sub3A_463 : f32 to vector<16xf32>
        %select_n3A_468 = arith.select %eq3A_466, %broadcast_in_dim3A_467, %select_n3A_432 : vector<16xi1>, vector<16xf32>
        %add3A_469 = arith.constant 9 : i32
        %add3A_470 = arith.addi %mul3A_148, %add3A_469 : i32
        %get3A_471 = arith.index_cast %add3A_470 : i32 to index
        %get3A_472 = arith.constant 0 : index
        %get3A_473 = tpu.vector_load %arg13[%get3A_471, %get3A_472] {strides = array<i32>} : memref<128x64xf32, #tpu.memory_space<vmem>>, vector<16xf32>,
        %sub3A_474 = arith.subf %get3A_74, %get3A_473 : vector<16xf32>
        %abs3A_475 = math.absf %sub3A_474 : vector<16xf32>
        %get3A_476 = arith.index_cast %add3A_470 : i32 to index
        %get3A_477 = arith.constant 16 : index
        %get3A_478 = tpu.vector_load %arg13[%get3A_476, %get3A_477] {strides = array<i32>} : memref<128x64xf32, #tpu.memory_space<vmem>>, vector<16xf32>,
        %sub3A_479 = arith.subf %get3A_77, %get3A_478 : vector<16xf32>
        %abs3A_480 = math.absf %sub3A_479 : vector<16xf32>
        %add3A_481 = arith.addf %abs3A_475, %abs3A_480 : vector<16xf32>
        %get3A_482 = arith.index_cast %add3A_470 : i32 to index
        %get3A_483 = arith.constant 32 : index
        %get3A_484 = tpu.vector_load %arg13[%get3A_482, %get3A_483] {strides = array<i32>} : memref<128x64xf32, #tpu.memory_space<vmem>>, vector<16xf32>,
        %sub3A_485 = arith.subf %get3A_80, %get3A_484 : vector<16xf32>
        %abs3A_486 = math.absf %sub3A_485 : vector<16xf32>
        %add3A_487 = arith.addf %add3A_481, %abs3A_486 : vector<16xf32>
        %get3A_488 = arith.index_cast %add3A_470 : i32 to index
        %get3A_489 = arith.constant 48 : index
        %get3A_490 = tpu.vector_load %arg13[%get3A_488, %get3A_489] {strides = array<i32>} : memref<128x64xf32, #tpu.memory_space<vmem>>, vector<16xf32>,
        %sub3A_491 = arith.subf %get3A_83, %get3A_490 : vector<16xf32>
        %abs3A_492 = math.absf %sub3A_491 : vector<16xf32>
        %add3A_493 = arith.addf %add3A_487, %abs3A_492 : vector<16xf32>
        %reduce_sum3A_494 = arith.constant true
        %reduce_sum3A_495 = vector.broadcast %reduce_sum3A_494 : i1 to vector<16xi1>
        %reduce_sum3A_496 = tpu.scan <sum>, %add3A_493 masked %reduce_sum3A_495 : vector<16xf32>, vector<16xi1> -> vector<16xf32>
        %reduce_sum3A_497 = vector.extract %reduce_sum3A_496[15] : f32 from vector<16xf32>
        %sub3A_498 = arith.constant 1.200000e+01 : f32
        %sub3A_499 = arith.subf %sub3A_498, %reduce_sum3A_497 : f32
        %eq3A_500 = arith.constant 9 : i32
        %eq3A_501 = vector.broadcast %eq3A_500 : i32 to vector<16xi32>
        %eq3A_502 = arith.cmpi eq, %iota3A, %eq3A_501 : vector<16xi32>
        %broadcast_in_dim3A_503 = vector.broadcast %sub3A_499 : f32 to vector<16xf32>
        %select_n3A_504 = arith.select %eq3A_502, %broadcast_in_dim3A_503, %select_n3A_468 : vector<16xi1>, vector<16xf32>
        %add3A_505 = arith.constant 10 : i32
        %add3A_506 = arith.addi %mul3A_148, %add3A_505 : i32
        %get3A_507 = arith.index_cast %add3A_506 : i32 to index
        %get3A_508 = arith.constant 0 : index
        %get3A_509 = tpu.vector_load %arg13[%get3A_507, %get3A_508] {strides = array<i32>} : memref<128x64xf32, #tpu.memory_space<vmem>>, vector<16xf32>,
        %sub3A_510 = arith.subf %get3A_74, %get3A_509 : vector<16xf32>
        %abs3A_511 = math.absf %sub3A_510 : vector<16xf32>
        %get3A_512 = arith.index_cast %add3A_506 : i32 to index
        %get3A_513 = arith.constant 16 : index
        %get3A_514 = tpu.vector_load %arg13[%get3A_512, %get3A_513] {strides = array<i32>} : memref<128x64xf32, #tpu.memory_space<vmem>>, vector<16xf32>,
        %sub3A_515 = arith.subf %get3A_77, %get3A_514 : vector<16xf32>
        %abs3A_516 = math.absf %sub3A_515 : vector<16xf32>
        %add3A_517 = arith.addf %abs3A_511, %abs3A_516 : vector<16xf32>
        %get3A_518 = arith.index_cast %add3A_506 : i32 to index
        %get3A_519 = arith.constant 32 : index
        %get3A_520 = tpu.vector_load %arg13[%get3A_518, %get3A_519] {strides = array<i32>} : memref<128x64xf32, #tpu.memory_space<vmem>>, vector<16xf32>,
        %sub3A_521 = arith.subf %get3A_80, %get3A_520 : vector<16xf32>
        %abs3A_522 = math.absf %sub3A_521 : vector<16xf32>
        %add3A_523 = arith.addf %add3A_517, %abs3A_522 : vector<16xf32>
        %get3A_524 = arith.index_cast %add3A_506 : i32 to index
        %get3A_525 = arith.constant 48 : index
        %get3A_526 = tpu.vector_load %arg13[%get3A_524, %get3A_525] {strides = array<i32>} : memref<128x64xf32, #tpu.memory_space<vmem>>, vector<16xf32>,
        %sub3A_527 = arith.subf %get3A_83, %get3A_526 : vector<16xf32>
        %abs3A_528 = math.absf %sub3A_527 : vector<16xf32>
        %add3A_529 = arith.addf %add3A_523, %abs3A_528 : vector<16xf32>
        %reduce_sum3A_530 = arith.constant true
        %reduce_sum3A_531 = vector.broadcast %reduce_sum3A_530 : i1 to vector<16xi1>
        %reduce_sum3A_532 = tpu.scan <sum>, %add3A_529 masked %reduce_sum3A_531 : vector<16xf32>, vector<16xi1> -> vector<16xf32>
        %reduce_sum3A_533 = vector.extract %reduce_sum3A_532[15] : f32 from vector<16xf32>
        %sub3A_534 = arith.constant 1.200000e+01 : f32
        %sub3A_535 = arith.subf %sub3A_534, %reduce_sum3A_533 : f32
        %eq3A_536 = arith.constant 10 : i32
        %eq3A_537 = vector.broadcast %eq3A_536 : i32 to vector<16xi32>
        %eq3A_538 = arith.cmpi eq, %iota3A, %eq3A_537 : vector<16xi32>
        %broadcast_in_dim3A_539 = vector.broadcast %sub3A_535 : f32 to vector<16xf32>
        %select_n3A_540 = arith.select %eq3A_538, %broadcast_in_dim3A_539, %select_n3A_504 : vector<16xi1>, vector<16xf32>
        %add3A_541 = arith.constant 11 : i32
        %add3A_542 = arith.addi %mul3A_148, %add3A_541 : i32
        %get3A_543 = arith.index_cast %add3A_542 : i32 to index
        %get3A_544 = arith.constant 0 : index
        %get3A_545 = tpu.vector_load %arg13[%get3A_543, %get3A_544] {strides = array<i32>} : memref<128x64xf32, #tpu.memory_space<vmem>>, vector<16xf32>,
        %sub3A_546 = arith.subf %get3A_74, %get3A_545 : vector<16xf32>
        %abs3A_547 = math.absf %sub3A_546 : vector<16xf32>
        %get3A_548 = arith.index_cast %add3A_542 : i32 to index
        %get3A_549 = arith.constant 16 : index
        %get3A_550 = tpu.vector_load %arg13[%get3A_548, %get3A_549] {strides = array<i32>} : memref<128x64xf32, #tpu.memory_space<vmem>>, vector<16xf32>,
        %sub3A_551 = arith.subf %get3A_77, %get3A_550 : vector<16xf32>
        %abs3A_552 = math.absf %sub3A_551 : vector<16xf32>
        %add3A_553 = arith.addf %abs3A_547, %abs3A_552 : vector<16xf32>
        %get3A_554 = arith.index_cast %add3A_542 : i32 to index
        %get3A_555 = arith.constant 32 : index
        %get3A_556 = tpu.vector_load %arg13[%get3A_554, %get3A_555] {strides = array<i32>} : memref<128x64xf32, #tpu.memory_space<vmem>>, vector<16xf32>,
        %sub3A_557 = arith.subf %get3A_80, %get3A_556 : vector<16xf32>
        %abs3A_558 = math.absf %sub3A_557 : vector<16xf32>
        %add3A_559 = arith.addf %add3A_553, %abs3A_558 : vector<16xf32>
        %get3A_560 = arith.index_cast %add3A_542 : i32 to index
        %get3A_561 = arith.constant 48 : index
        %get3A_562 = tpu.vector_load %arg13[%get3A_560, %get3A_561] {strides = array<i32>} : memref<128x64xf32, #tpu.memory_space<vmem>>, vector<16xf32>,
        %sub3A_563 = arith.subf %get3A_83, %get3A_562 : vector<16xf32>
        %abs3A_564 = math.absf %sub3A_563 : vector<16xf32>
        %add3A_565 = arith.addf %add3A_559, %abs3A_564 : vector<16xf32>
        %reduce_sum3A_566 = arith.constant true
        %reduce_sum3A_567 = vector.broadcast %reduce_sum3A_566 : i1 to vector<16xi1>
        %reduce_sum3A_568 = tpu.scan <sum>, %add3A_565 masked %reduce_sum3A_567 : vector<16xf32>, vector<16xi1> -> vector<16xf32>
        %reduce_sum3A_569 = vector.extract %reduce_sum3A_568[15] : f32 from vector<16xf32>
        %sub3A_570 = arith.constant 1.200000e+01 : f32
        %sub3A_571 = arith.subf %sub3A_570, %reduce_sum3A_569 : f32
        %eq3A_572 = arith.constant 11 : i32
        %eq3A_573 = vector.broadcast %eq3A_572 : i32 to vector<16xi32>
        %eq3A_574 = arith.cmpi eq, %iota3A, %eq3A_573 : vector<16xi32>
        %broadcast_in_dim3A_575 = vector.broadcast %sub3A_571 : f32 to vector<16xf32>
        %select_n3A_576 = arith.select %eq3A_574, %broadcast_in_dim3A_575, %select_n3A_540 : vector<16xi1>, vector<16xf32>
        %add3A_577 = arith.constant 12 : i32
        %add3A_578 = arith.addi %mul3A_148, %add3A_577 : i32
        %get3A_579 = arith.index_cast %add3A_578 : i32 to index
        %get3A_580 = arith.constant 0 : index
        %get3A_581 = tpu.vector_load %arg13[%get3A_579, %get3A_580] {strides = array<i32>} : memref<128x64xf32, #tpu.memory_space<vmem>>, vector<16xf32>,
        %sub3A_582 = arith.subf %get3A_74, %get3A_581 : vector<16xf32>
        %abs3A_583 = math.absf %sub3A_582 : vector<16xf32>
        %get3A_584 = arith.index_cast %add3A_578 : i32 to index
        %get3A_585 = arith.constant 16 : index
        %get3A_586 = tpu.vector_load %arg13[%get3A_584, %get3A_585] {strides = array<i32>} : memref<128x64xf32, #tpu.memory_space<vmem>>, vector<16xf32>,
        %sub3A_587 = arith.subf %get3A_77, %get3A_586 : vector<16xf32>
        %abs3A_588 = math.absf %sub3A_587 : vector<16xf32>
        %add3A_589 = arith.addf %abs3A_583, %abs3A_588 : vector<16xf32>
        %get3A_590 = arith.index_cast %add3A_578 : i32 to index
        %get3A_591 = arith.constant 32 : index
        %get3A_592 = tpu.vector_load %arg13[%get3A_590, %get3A_591] {strides = array<i32>} : memref<128x64xf32, #tpu.memory_space<vmem>>, vector<16xf32>,
        %sub3A_593 = arith.subf %get3A_80, %get3A_592 : vector<16xf32>
        %abs3A_594 = math.absf %sub3A_593 : vector<16xf32>
        %add3A_595 = arith.addf %add3A_589, %abs3A_594 : vector<16xf32>
        %get3A_596 = arith.index_cast %add3A_578 : i32 to index
        %get3A_597 = arith.constant 48 : index
        %get3A_598 = tpu.vector_load %arg13[%get3A_596, %get3A_597] {strides = array<i32>} : memref<128x64xf32, #tpu.memory_space<vmem>>, vector<16xf32>,
        %sub3A_599 = arith.subf %get3A_83, %get3A_598 : vector<16xf32>
        %abs3A_600 = math.absf %sub3A_599 : vector<16xf32>
        %add3A_601 = arith.addf %add3A_595, %abs3A_600 : vector<16xf32>
        %reduce_sum3A_602 = arith.constant true
        %reduce_sum3A_603 = vector.broadcast %reduce_sum3A_602 : i1 to vector<16xi1>
        %reduce_sum3A_604 = tpu.scan <sum>, %add3A_601 masked %reduce_sum3A_603 : vector<16xf32>, vector<16xi1> -> vector<16xf32>
        %reduce_sum3A_605 = vector.extract %reduce_sum3A_604[15] : f32 from vector<16xf32>
        %sub3A_606 = arith.constant 1.200000e+01 : f32
        %sub3A_607 = arith.subf %sub3A_606, %reduce_sum3A_605 : f32
        %eq3A_608 = arith.constant 12 : i32
        %eq3A_609 = vector.broadcast %eq3A_608 : i32 to vector<16xi32>
        %eq3A_610 = arith.cmpi eq, %iota3A, %eq3A_609 : vector<16xi32>
        %broadcast_in_dim3A_611 = vector.broadcast %sub3A_607 : f32 to vector<16xf32>
        %select_n3A_612 = arith.select %eq3A_610, %broadcast_in_dim3A_611, %select_n3A_576 : vector<16xi1>, vector<16xf32>
        %add3A_613 = arith.constant 13 : i32
        %add3A_614 = arith.addi %mul3A_148, %add3A_613 : i32
        %get3A_615 = arith.index_cast %add3A_614 : i32 to index
        %get3A_616 = arith.constant 0 : index
        %get3A_617 = tpu.vector_load %arg13[%get3A_615, %get3A_616] {strides = array<i32>} : memref<128x64xf32, #tpu.memory_space<vmem>>, vector<16xf32>,
        %sub3A_618 = arith.subf %get3A_74, %get3A_617 : vector<16xf32>
        %abs3A_619 = math.absf %sub3A_618 : vector<16xf32>
        %get3A_620 = arith.index_cast %add3A_614 : i32 to index
        %get3A_621 = arith.constant 16 : index
        %get3A_622 = tpu.vector_load %arg13[%get3A_620, %get3A_621] {strides = array<i32>} : memref<128x64xf32, #tpu.memory_space<vmem>>, vector<16xf32>,
        %sub3A_623 = arith.subf %get3A_77, %get3A_622 : vector<16xf32>
        %abs3A_624 = math.absf %sub3A_623 : vector<16xf32>
        %add3A_625 = arith.addf %abs3A_619, %abs3A_624 : vector<16xf32>
        %get3A_626 = arith.index_cast %add3A_614 : i32 to index
        %get3A_627 = arith.constant 32 : index
        %get3A_628 = tpu.vector_load %arg13[%get3A_626, %get3A_627] {strides = array<i32>} : memref<128x64xf32, #tpu.memory_space<vmem>>, vector<16xf32>,
        %sub3A_629 = arith.subf %get3A_80, %get3A_628 : vector<16xf32>
        %abs3A_630 = math.absf %sub3A_629 : vector<16xf32>
        %add3A_631 = arith.addf %add3A_625, %abs3A_630 : vector<16xf32>
        %get3A_632 = arith.index_cast %add3A_614 : i32 to index
        %get3A_633 = arith.constant 48 : index
        %get3A_634 = tpu.vector_load %arg13[%get3A_632, %get3A_633] {strides = array<i32>} : memref<128x64xf32, #tpu.memory_space<vmem>>, vector<16xf32>,
        %sub3A_635 = arith.subf %get3A_83, %get3A_634 : vector<16xf32>
        %abs3A_636 = math.absf %sub3A_635 : vector<16xf32>
        %add3A_637 = arith.addf %add3A_631, %abs3A_636 : vector<16xf32>
        %reduce_sum3A_638 = arith.constant true
        %reduce_sum3A_639 = vector.broadcast %reduce_sum3A_638 : i1 to vector<16xi1>
        %reduce_sum3A_640 = tpu.scan <sum>, %add3A_637 masked %reduce_sum3A_639 : vector<16xf32>, vector<16xi1> -> vector<16xf32>
        %reduce_sum3A_641 = vector.extract %reduce_sum3A_640[15] : f32 from vector<16xf32>
        %sub3A_642 = arith.constant 1.200000e+01 : f32
        %sub3A_643 = arith.subf %sub3A_642, %reduce_sum3A_641 : f32
        %eq3A_644 = arith.constant 13 : i32
        %eq3A_645 = vector.broadcast %eq3A_644 : i32 to vector<16xi32>
        %eq3A_646 = arith.cmpi eq, %iota3A, %eq3A_645 : vector<16xi32>
        %broadcast_in_dim3A_647 = vector.broadcast %sub3A_643 : f32 to vector<16xf32>
        %select_n3A_648 = arith.select %eq3A_646, %broadcast_in_dim3A_647, %select_n3A_612 : vector<16xi1>, vector<16xf32>
        %add3A_649 = arith.constant 14 : i32
        %add3A_650 = arith.addi %mul3A_148, %add3A_649 : i32
        %get3A_651 = arith.index_cast %add3A_650 : i32 to index
        %get3A_652 = arith.constant 0 : index
        %get3A_653 = tpu.vector_load %arg13[%get3A_651, %get3A_652] {strides = array<i32>} : memref<128x64xf32, #tpu.memory_space<vmem>>, vector<16xf32>,
        %sub3A_654 = arith.subf %get3A_74, %get3A_653 : vector<16xf32>
        %abs3A_655 = math.absf %sub3A_654 : vector<16xf32>
        %get3A_656 = arith.index_cast %add3A_650 : i32 to index
        %get3A_657 = arith.constant 16 : index
        %get3A_658 = tpu.vector_load %arg13[%get3A_656, %get3A_657] {strides = array<i32>} : memref<128x64xf32, #tpu.memory_space<vmem>>, vector<16xf32>,
        %sub3A_659 = arith.subf %get3A_77, %get3A_658 : vector<16xf32>
        %abs3A_660 = math.absf %sub3A_659 : vector<16xf32>
        %add3A_661 = arith.addf %abs3A_655, %abs3A_660 : vector<16xf32>
        %get3A_662 = arith.index_cast %add3A_650 : i32 to index
        %get3A_663 = arith.constant 32 : index
        %get3A_664 = tpu.vector_load %arg13[%get3A_662, %get3A_663] {strides = array<i32>} : memref<128x64xf32, #tpu.memory_space<vmem>>, vector<16xf32>,
        %sub3A_665 = arith.subf %get3A_80, %get3A_664 : vector<16xf32>
        %abs3A_666 = math.absf %sub3A_665 : vector<16xf32>
        %add3A_667 = arith.addf %add3A_661, %abs3A_666 : vector<16xf32>
        %get3A_668 = arith.index_cast %add3A_650 : i32 to index
        %get3A_669 = arith.constant 48 : index
        %get3A_670 = tpu.vector_load %arg13[%get3A_668, %get3A_669] {strides = array<i32>} : memref<128x64xf32, #tpu.memory_space<vmem>>, vector<16xf32>,
        %sub3A_671 = arith.subf %get3A_83, %get3A_670 : vector<16xf32>
        %abs3A_672 = math.absf %sub3A_671 : vector<16xf32>
        %add3A_673 = arith.addf %add3A_667, %abs3A_672 : vector<16xf32>
        %reduce_sum3A_674 = arith.constant true
        %reduce_sum3A_675 = vector.broadcast %reduce_sum3A_674 : i1 to vector<16xi1>
        %reduce_sum3A_676 = tpu.scan <sum>, %add3A_673 masked %reduce_sum3A_675 : vector<16xf32>, vector<16xi1> -> vector<16xf32>
        %reduce_sum3A_677 = vector.extract %reduce_sum3A_676[15] : f32 from vector<16xf32>
        %sub3A_678 = arith.constant 1.200000e+01 : f32
        %sub3A_679 = arith.subf %sub3A_678, %reduce_sum3A_677 : f32
        %eq3A_680 = arith.constant 14 : i32
        %eq3A_681 = vector.broadcast %eq3A_680 : i32 to vector<16xi32>
        %eq3A_682 = arith.cmpi eq, %iota3A, %eq3A_681 : vector<16xi32>
        %broadcast_in_dim3A_683 = vector.broadcast %sub3A_679 : f32 to vector<16xf32>
        %select_n3A_684 = arith.select %eq3A_682, %broadcast_in_dim3A_683, %select_n3A_648 : vector<16xi1>, vector<16xf32>
        %add3A_685 = arith.constant 15 : i32
        %add3A_686 = arith.addi %mul3A_148, %add3A_685 : i32
        %get3A_687 = arith.index_cast %add3A_686 : i32 to index
        %get3A_688 = arith.constant 0 : index
        %get3A_689 = tpu.vector_load %arg13[%get3A_687, %get3A_688] {strides = array<i32>} : memref<128x64xf32, #tpu.memory_space<vmem>>, vector<16xf32>,
        %sub3A_690 = arith.subf %get3A_74, %get3A_689 : vector<16xf32>
        %abs3A_691 = math.absf %sub3A_690 : vector<16xf32>
        %get3A_692 = arith.index_cast %add3A_686 : i32 to index
        %get3A_693 = arith.constant 16 : index
        %get3A_694 = tpu.vector_load %arg13[%get3A_692, %get3A_693] {strides = array<i32>} : memref<128x64xf32, #tpu.memory_space<vmem>>, vector<16xf32>,
        %sub3A_695 = arith.subf %get3A_77, %get3A_694 : vector<16xf32>
        %abs3A_696 = math.absf %sub3A_695 : vector<16xf32>
        %add3A_697 = arith.addf %abs3A_691, %abs3A_696 : vector<16xf32>
        %get3A_698 = arith.index_cast %add3A_686 : i32 to index
        %get3A_699 = arith.constant 32 : index
        %get3A_700 = tpu.vector_load %arg13[%get3A_698, %get3A_699] {strides = array<i32>} : memref<128x64xf32, #tpu.memory_space<vmem>>, vector<16xf32>,
        %sub3A_701 = arith.subf %get3A_80, %get3A_700 : vector<16xf32>
        %abs3A_702 = math.absf %sub3A_701 : vector<16xf32>
        %add3A_703 = arith.addf %add3A_697, %abs3A_702 : vector<16xf32>
        %get3A_704 = arith.index_cast %add3A_686 : i32 to index
        %get3A_705 = arith.constant 48 : index
        %get3A_706 = tpu.vector_load %arg13[%get3A_704, %get3A_705] {strides = array<i32>} : memref<128x64xf32, #tpu.memory_space<vmem>>, vector<16xf32>,
        %sub3A_707 = arith.subf %get3A_83, %get3A_706 : vector<16xf32>
        %abs3A_708 = math.absf %sub3A_707 : vector<16xf32>
        %add3A_709 = arith.addf %add3A_703, %abs3A_708 : vector<16xf32>
        %reduce_sum3A_710 = arith.constant true
        %reduce_sum3A_711 = vector.broadcast %reduce_sum3A_710 : i1 to vector<16xi1>
        %reduce_sum3A_712 = tpu.scan <sum>, %add3A_709 masked %reduce_sum3A_711 : vector<16xf32>, vector<16xi1> -> vector<16xf32>
        %reduce_sum3A_713 = vector.extract %reduce_sum3A_712[15] : f32 from vector<16xf32>
        %sub3A_714 = arith.constant 1.200000e+01 : f32
        %sub3A_715 = arith.subf %sub3A_714, %reduce_sum3A_713 : f32
        %eq3A_716 = arith.constant 15 : i32
        %eq3A_717 = vector.broadcast %eq3A_716 : i32 to vector<16xi32>
        %eq3A_718 = arith.cmpi eq, %iota3A, %eq3A_717 : vector<16xi32>
        %broadcast_in_dim3A_719 = vector.broadcast %sub3A_715 : f32 to vector<16xf32>
        %select_n3A_720 = arith.select %eq3A_718, %broadcast_in_dim3A_719, %select_n3A_684 : vector<16xi1>, vector<16xf32>
        %swap3A = arith.index_cast %mul3A_148 : i32 to index
        %swap3A_721 = tpu.vector_load %arg15[%swap3A] {strides = array<i32>} : memref<128xf32, #tpu.memory_space<vmem>>, vector<16xf32>,
        tpu.vector_store %arg15[%swap3A], %select_n3A_720 {strides = array<i32>} : memref<128xf32, #tpu.memory_space<vmem>>, vector<16xf32>,
      }
      %scan3A_89 = arith.constant 8 : i32
      %add3A_90 = arith.addi %mul3A_4, %add3A_64 : i32
      %dma_start3A_91 = arith.constant 0 : i32
      %dma_start3A_92 = tpu.memref_slice %arg7[%add3A_90, %dma_start3A_91] : memref<2048x128xf32, #tpu.memory_space<hbm>> -> memref<1x128xf32, #tpu.memory_space<hbm>>
      %dma_start3A_93 = tpu.memref_squeeze %dma_start3A_92 : memref<1x128xf32, #tpu.memory_space<hbm>> -> memref<128xf32, #tpu.memory_space<hbm>>
      %dma_start3A_94 = arith.constant 0 : i32
      %dma_start3A_95 = tpu.memref_slice %arg7[%add3A_90, %dma_start3A_94] : memref<2048x128xf32, #tpu.memory_space<hbm>> -> memref<1x128xf32, #tpu.memory_space<hbm>>
      %dma_start3A_96 = tpu.memref_squeeze %dma_start3A_95 : memref<1x128xf32, #tpu.memory_space<hbm>> -> memref<128xf32, #tpu.memory_space<hbm>>
      tpu.enqueue_dma source(%arg15 : memref<128xf32, #tpu.memory_space<vmem>>) target(%dma_start3A_96 : memref<128xf32, #tpu.memory_space<hbm>>) target_semaphore(%arg19 : memref<!tpu.dma_semaphore, #tpu.memory_space<semaphore_mem>>)
      %lt3A = arith.constant 31 : i32
      %lt3A_97 = arith.cmpi slt, %scan3A_60, %lt3A : i32
      %convert_element_type3A_98 = arith.extui %lt3A_97 : i1 to i32
      %cond3A_99 = arith.constant 0 : i32
      %cond3A_100 = arith.cmpi ne, %convert_element_type3A_98, %cond3A_99 : i32
      scf.if %cond3A_100 {
        %add3A_146 = arith.constant 2 : i32
        %add3A_147 = arith.addi %add3A_64, %add3A_146 : i32
        %dma_start3A_148 = arith.constant 0 : i32
        %dma_start3A_149 = tpu.memref_slice %arg12[%add3A_147, %dma_start3A_148] : memref<64x128xi32, #tpu.memory_space<vmem>> -> memref<1x128xi32, #tpu.memory_space<vmem>>
        %dma_start3A_150 = tpu.memref_squeeze %dma_start3A_149 : memref<1x128xi32, #tpu.memory_space<vmem>> -> memref<128xi32, #tpu.memory_space<vmem>>
        %dma_start3A_151 = arith.constant 0 : i32
        %dma_start3A_152 = arith.constant 0 : i32
        %dma_start3A_153 = tpu.memref_slice %arg5[%dma_start3A_151, %dma_start3A_152] : memref<1000000x64xf32, #tpu.memory_space<hbm>> -> memref<1000000x64xf32, #tpu.memory_space<hbm>>
        tpu.enqueue_indirect_dma source(%dma_start3A_153 : memref<1000000x64xf32, #tpu.memory_space<hbm>>) target(%arg13 : memref<128x64xf32, #tpu.memory_space<vmem>>) offsets(%dma_start3A_150 : memref<128xi32, #tpu.memory_space<vmem>>) semaphore(%arg17 : memref<!tpu.dma_semaphore, #tpu.memory_space<semaphore_mem>>)
      } else {
      }
      %mul3A_101 = arith.constant 2 : i32
      %mul3A_102 = arith.muli %mul3A_101, %scan3A_60 : i32
      %add3A_103 = arith.constant 1 : i32
      %add3A_104 = arith.addi %mul3A_102, %add3A_103 : i32
      %dma_wait3A_105 = arith.constant 0 : i32
      %dma_wait3A_106 = tpu.memref_slice %arg12[%add3A_104, %dma_wait3A_105] : memref<64x128xi32, #tpu.memory_space<vmem>> -> memref<1x128xi32, #tpu.memory_space<vmem>>
      %dma_wait3A_107 = tpu.memref_squeeze %dma_wait3A_106 : memref<1x128xi32, #tpu.memory_space<vmem>> -> memref<128xi32, #tpu.memory_space<vmem>>
      %dma_wait3A_108 = arith.constant 0 : i32
      %dma_wait3A_109 = arith.constant 0 : i32
      %dma_wait3A_110 = tpu.memref_slice %arg5[%dma_wait3A_108, %dma_wait3A_109] : memref<1000000x64xf32, #tpu.memory_space<hbm>> -> memref<1000000x64xf32, #tpu.memory_space<hbm>>
      tpu.wait_indirect_dma semaphore(%arg18 : memref<!tpu.dma_semaphore, #tpu.memory_space<semaphore_mem>>) src(%dma_wait3A_110 : memref<1000000x64xf32, #tpu.memory_space<hbm>>) dst(%arg14 : memref<128x64xf32, #tpu.memory_space<vmem>>)
      %gt3A_111 = arith.constant 0 : i32
      %gt3A_112 = arith.cmpi sgt, %scan3A_60, %gt3A_111 : i32
      %convert_element_type3A_113 = arith.extui %gt3A_112 : i1 to i32
      %cond3A_114 = arith.constant 0 : i32
      %cond3A_115 = arith.cmpi ne, %convert_element_type3A_113, %cond3A_114 : i32
      scf.if %cond3A_115 {
        %dma_wait3A_146 = arith.constant 0 : i32
        %dma_wait3A_147 = tpu.memref_slice %arg7[%mul3A_4, %dma_wait3A_146] : memref<2048x128xf32, #tpu.memory_space<hbm>> -> memref<1x128xf32, #tpu.memory_space<hbm>>
        %dma_wait3A_148 = tpu.memref_squeeze %dma_wait3A_147 : memref<1x128xf32, #tpu.memory_space<hbm>> -> memref<128xf32, #tpu.memory_space<hbm>>
        %dma_wait3A_149 = arith.constant 0 : i32
        %dma_wait3A_150 = tpu.memref_slice %arg7[%mul3A_4, %dma_wait3A_149] : memref<2048x128xf32, #tpu.memory_space<hbm>> -> memref<1x128xf32, #tpu.memory_space<hbm>>
        %dma_wait3A_151 = tpu.memref_squeeze %dma_wait3A_150 : memref<1x128xf32, #tpu.memory_space<hbm>> -> memref<128xf32, #tpu.memory_space<hbm>>
        tpu.wait_dma2 semaphore(%arg20 : memref<!tpu.dma_semaphore, #tpu.memory_space<semaphore_mem>>) src(%arg16 : memref<128xf32, #tpu.memory_space<vmem>>) dst(%dma_wait3A_151 : memref<128xf32, #tpu.memory_space<hbm>>)
      } else {
      }
      %get3A_116 = arith.index_cast %scan3A_60 : i32 to index
      %get3A_117 = arith.constant 0 : index
      %get3A_118 = tpu.vector_load %arg10[%get3A_116, %get3A_117] {strides = array<i32>} : memref<32x64xf32, #tpu.memory_space<vmem>>, vector<16xf32>,
      %get3A_119 = arith.index_cast %scan3A_60 : i32 to index
      %get3A_120 = arith.constant 16 : index
      %get3A_121 = tpu.vector_load %arg10[%get3A_119, %get3A_120] {strides = array<i32>} : memref<32x64xf32, #tpu.memory_space<vmem>>, vector<16xf32>,
      %get3A_122 = arith.index_cast %scan3A_60 : i32 to index
      %get3A_123 = arith.constant 32 : index
      %get3A_124 = tpu.vector_load %arg10[%get3A_122, %get3A_123] {strides = array<i32>} : memref<32x64xf32, #tpu.memory_space<vmem>>, vector<16xf32>,
      %get3A_125 = arith.index_cast %scan3A_60 : i32 to index
      %get3A_126 = arith.constant 48 : index
      %get3A_127 = tpu.vector_load %arg10[%get3A_125, %get3A_126] {strides = array<i32>} : memref<32x64xf32, #tpu.memory_space<vmem>>, vector<16xf32>,
      %scan3A_128 = arith.constant 0 : i32
      %scan3A_129 = arith.constant 0 : i32
      %scan3A_130 = arith.constant 8 : i32
      %scan3A_131 = arith.addi %scan3A_129, %scan3A_130 : i32
      %scan3A_132 = arith.constant 1 : i32
      scf.for %scan3A_146 = %scan3A_129 to %scan3A_131 step %scan3A_132  : i32 {
        %mul3A_147 = arith.constant 16 : i32
        %mul3A_148 = arith.muli %scan3A_146, %mul3A_147 : i32
        %broadcast_in_dim3A = arith.constant 0.000000e+00 : f32
        %broadcast_in_dim3A_149 = vector.broadcast %broadcast_in_dim3A : f32 to vector<16xf32>
        %add3A_150 = arith.constant 0 : i32
        %add3A_151 = arith.addi %mul3A_148, %add3A_150 : i32
        %get3A_152 = arith.index_cast %add3A_151 : i32 to index
        %get3A_153 = arith.constant 0 : index
        %get3A_154 = tpu.vector_load %arg14[%get3A_152, %get3A_153] {strides = array<i32>} : memref<128x64xf32, #tpu.memory_space<vmem>>, vector<16xf32>,
        %sub3A = arith.subf %get3A_118, %get3A_154 : vector<16xf32>
        %abs3A = math.absf %sub3A : vector<16xf32>
        %get3A_155 = arith.index_cast %add3A_151 : i32 to index
        %get3A_156 = arith.constant 16 : index
        %get3A_157 = tpu.vector_load %arg14[%get3A_155, %get3A_156] {strides = array<i32>} : memref<128x64xf32, #tpu.memory_space<vmem>>, vector<16xf32>,
        %sub3A_158 = arith.subf %get3A_121, %get3A_157 : vector<16xf32>
        %abs3A_159 = math.absf %sub3A_158 : vector<16xf32>
        %add3A_160 = arith.addf %abs3A, %abs3A_159 : vector<16xf32>
        %get3A_161 = arith.index_cast %add3A_151 : i32 to index
        %get3A_162 = arith.constant 32 : index
        %get3A_163 = tpu.vector_load %arg14[%get3A_161, %get3A_162] {strides = array<i32>} : memref<128x64xf32, #tpu.memory_space<vmem>>, vector<16xf32>,
        %sub3A_164 = arith.subf %get3A_124, %get3A_163 : vector<16xf32>
        %abs3A_165 = math.absf %sub3A_164 : vector<16xf32>
        %add3A_166 = arith.addf %add3A_160, %abs3A_165 : vector<16xf32>
        %get3A_167 = arith.index_cast %add3A_151 : i32 to index
        %get3A_168 = arith.constant 48 : index
        %get3A_169 = tpu.vector_load %arg14[%get3A_167, %get3A_168] {strides = array<i32>} : memref<128x64xf32, #tpu.memory_space<vmem>>, vector<16xf32>,
        %sub3A_170 = arith.subf %get3A_127, %get3A_169 : vector<16xf32>
        %abs3A_171 = math.absf %sub3A_170 : vector<16xf32>
        %add3A_172 = arith.addf %add3A_166, %abs3A_171 : vector<16xf32>
        %reduce_sum3A = arith.constant true
        %reduce_sum3A_173 = vector.broadcast %reduce_sum3A : i1 to vector<16xi1>
        %reduce_sum3A_174 = tpu.scan <sum>, %add3A_172 masked %reduce_sum3A_173 : vector<16xf32>, vector<16xi1> -> vector<16xf32>
        %reduce_sum3A_175 = vector.extract %reduce_sum3A_174[15] : f32 from vector<16xf32>
        %sub3A_176 = arith.constant 1.200000e+01 : f32
        %sub3A_177 = arith.subf %sub3A_176, %reduce_sum3A_175 : f32
        %eq3A = arith.constant 0 : i32
        %eq3A_178 = vector.broadcast %eq3A : i32 to vector<16xi32>
        %eq3A_179 = arith.cmpi eq, %iota3A, %eq3A_178 : vector<16xi32>
        %broadcast_in_dim3A_180 = vector.broadcast %sub3A_177 : f32 to vector<16xf32>
        %select_n3A = arith.select %eq3A_179, %broadcast_in_dim3A_180, %broadcast_in_dim3A_149 : vector<16xi1>, vector<16xf32>
        %add3A_181 = arith.constant 1 : i32
        %add3A_182 = arith.addi %mul3A_148, %add3A_181 : i32
        %get3A_183 = arith.index_cast %add3A_182 : i32 to index
        %get3A_184 = arith.constant 0 : index
        %get3A_185 = tpu.vector_load %arg14[%get3A_183, %get3A_184] {strides = array<i32>} : memref<128x64xf32, #tpu.memory_space<vmem>>, vector<16xf32>,
        %sub3A_186 = arith.subf %get3A_118, %get3A_185 : vector<16xf32>
        %abs3A_187 = math.absf %sub3A_186 : vector<16xf32>
        %get3A_188 = arith.index_cast %add3A_182 : i32 to index
        %get3A_189 = arith.constant 16 : index
        %get3A_190 = tpu.vector_load %arg14[%get3A_188, %get3A_189] {strides = array<i32>} : memref<128x64xf32, #tpu.memory_space<vmem>>, vector<16xf32>,
        %sub3A_191 = arith.subf %get3A_121, %get3A_190 : vector<16xf32>
        %abs3A_192 = math.absf %sub3A_191 : vector<16xf32>
        %add3A_193 = arith.addf %abs3A_187, %abs3A_192 : vector<16xf32>
        %get3A_194 = arith.index_cast %add3A_182 : i32 to index
        %get3A_195 = arith.constant 32 : index
        %get3A_196 = tpu.vector_load %arg14[%get3A_194, %get3A_195] {strides = array<i32>} : memref<128x64xf32, #tpu.memory_space<vmem>>, vector<16xf32>,
        %sub3A_197 = arith.subf %get3A_124, %get3A_196 : vector<16xf32>
        %abs3A_198 = math.absf %sub3A_197 : vector<16xf32>
        %add3A_199 = arith.addf %add3A_193, %abs3A_198 : vector<16xf32>
        %get3A_200 = arith.index_cast %add3A_182 : i32 to index
        %get3A_201 = arith.constant 48 : index
        %get3A_202 = tpu.vector_load %arg14[%get3A_200, %get3A_201] {strides = array<i32>} : memref<128x64xf32, #tpu.memory_space<vmem>>, vector<16xf32>,
        %sub3A_203 = arith.subf %get3A_127, %get3A_202 : vector<16xf32>
        %abs3A_204 = math.absf %sub3A_203 : vector<16xf32>
        %add3A_205 = arith.addf %add3A_199, %abs3A_204 : vector<16xf32>
        %reduce_sum3A_206 = arith.constant true
        %reduce_sum3A_207 = vector.broadcast %reduce_sum3A_206 : i1 to vector<16xi1>
        %reduce_sum3A_208 = tpu.scan <sum>, %add3A_205 masked %reduce_sum3A_207 : vector<16xf32>, vector<16xi1> -> vector<16xf32>
        %reduce_sum3A_209 = vector.extract %reduce_sum3A_208[15] : f32 from vector<16xf32>
        %sub3A_210 = arith.constant 1.200000e+01 : f32
        %sub3A_211 = arith.subf %sub3A_210, %reduce_sum3A_209 : f32
        %eq3A_212 = arith.constant 1 : i32
        %eq3A_213 = vector.broadcast %eq3A_212 : i32 to vector<16xi32>
        %eq3A_214 = arith.cmpi eq, %iota3A, %eq3A_213 : vector<16xi32>
        %broadcast_in_dim3A_215 = vector.broadcast %sub3A_211 : f32 to vector<16xf32>
        %select_n3A_216 = arith.select %eq3A_214, %broadcast_in_dim3A_215, %select_n3A : vector<16xi1>, vector<16xf32>
        %add3A_217 = arith.constant 2 : i32
        %add3A_218 = arith.addi %mul3A_148, %add3A_217 : i32
        %get3A_219 = arith.index_cast %add3A_218 : i32 to index
        %get3A_220 = arith.constant 0 : index
        %get3A_221 = tpu.vector_load %arg14[%get3A_219, %get3A_220] {strides = array<i32>} : memref<128x64xf32, #tpu.memory_space<vmem>>, vector<16xf32>,
        %sub3A_222 = arith.subf %get3A_118, %get3A_221 : vector<16xf32>
        %abs3A_223 = math.absf %sub3A_222 : vector<16xf32>
        %get3A_224 = arith.index_cast %add3A_218 : i32 to index
        %get3A_225 = arith.constant 16 : index
        %get3A_226 = tpu.vector_load %arg14[%get3A_224, %get3A_225] {strides = array<i32>} : memref<128x64xf32, #tpu.memory_space<vmem>>, vector<16xf32>,
        %sub3A_227 = arith.subf %get3A_121, %get3A_226 : vector<16xf32>
        %abs3A_228 = math.absf %sub3A_227 : vector<16xf32>
        %add3A_229 = arith.addf %abs3A_223, %abs3A_228 : vector<16xf32>
        %get3A_230 = arith.index_cast %add3A_218 : i32 to index
        %get3A_231 = arith.constant 32 : index
        %get3A_232 = tpu.vector_load %arg14[%get3A_230, %get3A_231] {strides = array<i32>} : memref<128x64xf32, #tpu.memory_space<vmem>>, vector<16xf32>,
        %sub3A_233 = arith.subf %get3A_124, %get3A_232 : vector<16xf32>
        %abs3A_234 = math.absf %sub3A_233 : vector<16xf32>
        %add3A_235 = arith.addf %add3A_229, %abs3A_234 : vector<16xf32>
        %get3A_236 = arith.index_cast %add3A_218 : i32 to index
        %get3A_237 = arith.constant 48 : index
        %get3A_238 = tpu.vector_load %arg14[%get3A_236, %get3A_237] {strides = array<i32>} : memref<128x64xf32, #tpu.memory_space<vmem>>, vector<16xf32>,
        %sub3A_239 = arith.subf %get3A_127, %get3A_238 : vector<16xf32>
        %abs3A_240 = math.absf %sub3A_239 : vector<16xf32>
        %add3A_241 = arith.addf %add3A_235, %abs3A_240 : vector<16xf32>
        %reduce_sum3A_242 = arith.constant true
        %reduce_sum3A_243 = vector.broadcast %reduce_sum3A_242 : i1 to vector<16xi1>
        %reduce_sum3A_244 = tpu.scan <sum>, %add3A_241 masked %reduce_sum3A_243 : vector<16xf32>, vector<16xi1> -> vector<16xf32>
        %reduce_sum3A_245 = vector.extract %reduce_sum3A_244[15] : f32 from vector<16xf32>
        %sub3A_246 = arith.constant 1.200000e+01 : f32
        %sub3A_247 = arith.subf %sub3A_246, %reduce_sum3A_245 : f32
        %eq3A_248 = arith.constant 2 : i32
        %eq3A_249 = vector.broadcast %eq3A_248 : i32 to vector<16xi32>
        %eq3A_250 = arith.cmpi eq, %iota3A, %eq3A_249 : vector<16xi32>
        %broadcast_in_dim3A_251 = vector.broadcast %sub3A_247 : f32 to vector<16xf32>
        %select_n3A_252 = arith.select %eq3A_250, %broadcast_in_dim3A_251, %select_n3A_216 : vector<16xi1>, vector<16xf32>
        %add3A_253 = arith.constant 3 : i32
        %add3A_254 = arith.addi %mul3A_148, %add3A_253 : i32
        %get3A_255 = arith.index_cast %add3A_254 : i32 to index
        %get3A_256 = arith.constant 0 : index
        %get3A_257 = tpu.vector_load %arg14[%get3A_255, %get3A_256] {strides = array<i32>} : memref<128x64xf32, #tpu.memory_space<vmem>>, vector<16xf32>,
        %sub3A_258 = arith.subf %get3A_118, %get3A_257 : vector<16xf32>
        %abs3A_259 = math.absf %sub3A_258 : vector<16xf32>
        %get3A_260 = arith.index_cast %add3A_254 : i32 to index
        %get3A_261 = arith.constant 16 : index
        %get3A_262 = tpu.vector_load %arg14[%get3A_260, %get3A_261] {strides = array<i32>} : memref<128x64xf32, #tpu.memory_space<vmem>>, vector<16xf32>,
        %sub3A_263 = arith.subf %get3A_121, %get3A_262 : vector<16xf32>
        %abs3A_264 = math.absf %sub3A_263 : vector<16xf32>
        %add3A_265 = arith.addf %abs3A_259, %abs3A_264 : vector<16xf32>
        %get3A_266 = arith.index_cast %add3A_254 : i32 to index
        %get3A_267 = arith.constant 32 : index
        %get3A_268 = tpu.vector_load %arg14[%get3A_266, %get3A_267] {strides = array<i32>} : memref<128x64xf32, #tpu.memory_space<vmem>>, vector<16xf32>,
        %sub3A_269 = arith.subf %get3A_124, %get3A_268 : vector<16xf32>
        %abs3A_270 = math.absf %sub3A_269 : vector<16xf32>
        %add3A_271 = arith.addf %add3A_265, %abs3A_270 : vector<16xf32>
        %get3A_272 = arith.index_cast %add3A_254 : i32 to index
        %get3A_273 = arith.constant 48 : index
        %get3A_274 = tpu.vector_load %arg14[%get3A_272, %get3A_273] {strides = array<i32>} : memref<128x64xf32, #tpu.memory_space<vmem>>, vector<16xf32>,
        %sub3A_275 = arith.subf %get3A_127, %get3A_274 : vector<16xf32>
        %abs3A_276 = math.absf %sub3A_275 : vector<16xf32>
        %add3A_277 = arith.addf %add3A_271, %abs3A_276 : vector<16xf32>
        %reduce_sum3A_278 = arith.constant true
        %reduce_sum3A_279 = vector.broadcast %reduce_sum3A_278 : i1 to vector<16xi1>
        %reduce_sum3A_280 = tpu.scan <sum>, %add3A_277 masked %reduce_sum3A_279 : vector<16xf32>, vector<16xi1> -> vector<16xf32>
        %reduce_sum3A_281 = vector.extract %reduce_sum3A_280[15] : f32 from vector<16xf32>
        %sub3A_282 = arith.constant 1.200000e+01 : f32
        %sub3A_283 = arith.subf %sub3A_282, %reduce_sum3A_281 : f32
        %eq3A_284 = arith.constant 3 : i32
        %eq3A_285 = vector.broadcast %eq3A_284 : i32 to vector<16xi32>
        %eq3A_286 = arith.cmpi eq, %iota3A, %eq3A_285 : vector<16xi32>
        %broadcast_in_dim3A_287 = vector.broadcast %sub3A_283 : f32 to vector<16xf32>
        %select_n3A_288 = arith.select %eq3A_286, %broadcast_in_dim3A_287, %select_n3A_252 : vector<16xi1>, vector<16xf32>
        %add3A_289 = arith.constant 4 : i32
        %add3A_290 = arith.addi %mul3A_148, %add3A_289 : i32
        %get3A_291 = arith.index_cast %add3A_290 : i32 to index
        %get3A_292 = arith.constant 0 : index
        %get3A_293 = tpu.vector_load %arg14[%get3A_291, %get3A_292] {strides = array<i32>} : memref<128x64xf32, #tpu.memory_space<vmem>>, vector<16xf32>,
        %sub3A_294 = arith.subf %get3A_118, %get3A_293 : vector<16xf32>
        %abs3A_295 = math.absf %sub3A_294 : vector<16xf32>
        %get3A_296 = arith.index_cast %add3A_290 : i32 to index
        %get3A_297 = arith.constant 16 : index
        %get3A_298 = tpu.vector_load %arg14[%get3A_296, %get3A_297] {strides = array<i32>} : memref<128x64xf32, #tpu.memory_space<vmem>>, vector<16xf32>,
        %sub3A_299 = arith.subf %get3A_121, %get3A_298 : vector<16xf32>
        %abs3A_300 = math.absf %sub3A_299 : vector<16xf32>
        %add3A_301 = arith.addf %abs3A_295, %abs3A_300 : vector<16xf32>
        %get3A_302 = arith.index_cast %add3A_290 : i32 to index
        %get3A_303 = arith.constant 32 : index
        %get3A_304 = tpu.vector_load %arg14[%get3A_302, %get3A_303] {strides = array<i32>} : memref<128x64xf32, #tpu.memory_space<vmem>>, vector<16xf32>,
        %sub3A_305 = arith.subf %get3A_124, %get3A_304 : vector<16xf32>
        %abs3A_306 = math.absf %sub3A_305 : vector<16xf32>
        %add3A_307 = arith.addf %add3A_301, %abs3A_306 : vector<16xf32>
        %get3A_308 = arith.index_cast %add3A_290 : i32 to index
        %get3A_309 = arith.constant 48 : index
        %get3A_310 = tpu.vector_load %arg14[%get3A_308, %get3A_309] {strides = array<i32>} : memref<128x64xf32, #tpu.memory_space<vmem>>, vector<16xf32>,
        %sub3A_311 = arith.subf %get3A_127, %get3A_310 : vector<16xf32>
        %abs3A_312 = math.absf %sub3A_311 : vector<16xf32>
        %add3A_313 = arith.addf %add3A_307, %abs3A_312 : vector<16xf32>
        %reduce_sum3A_314 = arith.constant true
        %reduce_sum3A_315 = vector.broadcast %reduce_sum3A_314 : i1 to vector<16xi1>
        %reduce_sum3A_316 = tpu.scan <sum>, %add3A_313 masked %reduce_sum3A_315 : vector<16xf32>, vector<16xi1> -> vector<16xf32>
        %reduce_sum3A_317 = vector.extract %reduce_sum3A_316[15] : f32 from vector<16xf32>
        %sub3A_318 = arith.constant 1.200000e+01 : f32
        %sub3A_319 = arith.subf %sub3A_318, %reduce_sum3A_317 : f32
        %eq3A_320 = arith.constant 4 : i32
        %eq3A_321 = vector.broadcast %eq3A_320 : i32 to vector<16xi32>
        %eq3A_322 = arith.cmpi eq, %iota3A, %eq3A_321 : vector<16xi32>
        %broadcast_in_dim3A_323 = vector.broadcast %sub3A_319 : f32 to vector<16xf32>
        %select_n3A_324 = arith.select %eq3A_322, %broadcast_in_dim3A_323, %select_n3A_288 : vector<16xi1>, vector<16xf32>
        %add3A_325 = arith.constant 5 : i32
        %add3A_326 = arith.addi %mul3A_148, %add3A_325 : i32
        %get3A_327 = arith.index_cast %add3A_326 : i32 to index
        %get3A_328 = arith.constant 0 : index
        %get3A_329 = tpu.vector_load %arg14[%get3A_327, %get3A_328] {strides = array<i32>} : memref<128x64xf32, #tpu.memory_space<vmem>>, vector<16xf32>,
        %sub3A_330 = arith.subf %get3A_118, %get3A_329 : vector<16xf32>
        %abs3A_331 = math.absf %sub3A_330 : vector<16xf32>
        %get3A_332 = arith.index_cast %add3A_326 : i32 to index
        %get3A_333 = arith.constant 16 : index
        %get3A_334 = tpu.vector_load %arg14[%get3A_332, %get3A_333] {strides = array<i32>} : memref<128x64xf32, #tpu.memory_space<vmem>>, vector<16xf32>,
        %sub3A_335 = arith.subf %get3A_121, %get3A_334 : vector<16xf32>
        %abs3A_336 = math.absf %sub3A_335 : vector<16xf32>
        %add3A_337 = arith.addf %abs3A_331, %abs3A_336 : vector<16xf32>
        %get3A_338 = arith.index_cast %add3A_326 : i32 to index
        %get3A_339 = arith.constant 32 : index
        %get3A_340 = tpu.vector_load %arg14[%get3A_338, %get3A_339] {strides = array<i32>} : memref<128x64xf32, #tpu.memory_space<vmem>>, vector<16xf32>,
        %sub3A_341 = arith.subf %get3A_124, %get3A_340 : vector<16xf32>
        %abs3A_342 = math.absf %sub3A_341 : vector<16xf32>
        %add3A_343 = arith.addf %add3A_337, %abs3A_342 : vector<16xf32>
        %get3A_344 = arith.index_cast %add3A_326 : i32 to index
        %get3A_345 = arith.constant 48 : index
        %get3A_346 = tpu.vector_load %arg14[%get3A_344, %get3A_345] {strides = array<i32>} : memref<128x64xf32, #tpu.memory_space<vmem>>, vector<16xf32>,
        %sub3A_347 = arith.subf %get3A_127, %get3A_346 : vector<16xf32>
        %abs3A_348 = math.absf %sub3A_347 : vector<16xf32>
        %add3A_349 = arith.addf %add3A_343, %abs3A_348 : vector<16xf32>
        %reduce_sum3A_350 = arith.constant true
        %reduce_sum3A_351 = vector.broadcast %reduce_sum3A_350 : i1 to vector<16xi1>
        %reduce_sum3A_352 = tpu.scan <sum>, %add3A_349 masked %reduce_sum3A_351 : vector<16xf32>, vector<16xi1> -> vector<16xf32>
        %reduce_sum3A_353 = vector.extract %reduce_sum3A_352[15] : f32 from vector<16xf32>
        %sub3A_354 = arith.constant 1.200000e+01 : f32
        %sub3A_355 = arith.subf %sub3A_354, %reduce_sum3A_353 : f32
        %eq3A_356 = arith.constant 5 : i32
        %eq3A_357 = vector.broadcast %eq3A_356 : i32 to vector<16xi32>
        %eq3A_358 = arith.cmpi eq, %iota3A, %eq3A_357 : vector<16xi32>
        %broadcast_in_dim3A_359 = vector.broadcast %sub3A_355 : f32 to vector<16xf32>
        %select_n3A_360 = arith.select %eq3A_358, %broadcast_in_dim3A_359, %select_n3A_324 : vector<16xi1>, vector<16xf32>
        %add3A_361 = arith.constant 6 : i32
        %add3A_362 = arith.addi %mul3A_148, %add3A_361 : i32
        %get3A_363 = arith.index_cast %add3A_362 : i32 to index
        %get3A_364 = arith.constant 0 : index
        %get3A_365 = tpu.vector_load %arg14[%get3A_363, %get3A_364] {strides = array<i32>} : memref<128x64xf32, #tpu.memory_space<vmem>>, vector<16xf32>,
        %sub3A_366 = arith.subf %get3A_118, %get3A_365 : vector<16xf32>
        %abs3A_367 = math.absf %sub3A_366 : vector<16xf32>
        %get3A_368 = arith.index_cast %add3A_362 : i32 to index
        %get3A_369 = arith.constant 16 : index
        %get3A_370 = tpu.vector_load %arg14[%get3A_368, %get3A_369] {strides = array<i32>} : memref<128x64xf32, #tpu.memory_space<vmem>>, vector<16xf32>,
        %sub3A_371 = arith.subf %get3A_121, %get3A_370 : vector<16xf32>
        %abs3A_372 = math.absf %sub3A_371 : vector<16xf32>
        %add3A_373 = arith.addf %abs3A_367, %abs3A_372 : vector<16xf32>
        %get3A_374 = arith.index_cast %add3A_362 : i32 to index
        %get3A_375 = arith.constant 32 : index
        %get3A_376 = tpu.vector_load %arg14[%get3A_374, %get3A_375] {strides = array<i32>} : memref<128x64xf32, #tpu.memory_space<vmem>>, vector<16xf32>,
        %sub3A_377 = arith.subf %get3A_124, %get3A_376 : vector<16xf32>
        %abs3A_378 = math.absf %sub3A_377 : vector<16xf32>
        %add3A_379 = arith.addf %add3A_373, %abs3A_378 : vector<16xf32>
        %get3A_380 = arith.index_cast %add3A_362 : i32 to index
        %get3A_381 = arith.constant 48 : index
        %get3A_382 = tpu.vector_load %arg14[%get3A_380, %get3A_381] {strides = array<i32>} : memref<128x64xf32, #tpu.memory_space<vmem>>, vector<16xf32>,
        %sub3A_383 = arith.subf %get3A_127, %get3A_382 : vector<16xf32>
        %abs3A_384 = math.absf %sub3A_383 : vector<16xf32>
        %add3A_385 = arith.addf %add3A_379, %abs3A_384 : vector<16xf32>
        %reduce_sum3A_386 = arith.constant true
        %reduce_sum3A_387 = vector.broadcast %reduce_sum3A_386 : i1 to vector<16xi1>
        %reduce_sum3A_388 = tpu.scan <sum>, %add3A_385 masked %reduce_sum3A_387 : vector<16xf32>, vector<16xi1> -> vector<16xf32>
        %reduce_sum3A_389 = vector.extract %reduce_sum3A_388[15] : f32 from vector<16xf32>
        %sub3A_390 = arith.constant 1.200000e+01 : f32
        %sub3A_391 = arith.subf %sub3A_390, %reduce_sum3A_389 : f32
        %eq3A_392 = arith.constant 6 : i32
        %eq3A_393 = vector.broadcast %eq3A_392 : i32 to vector<16xi32>
        %eq3A_394 = arith.cmpi eq, %iota3A, %eq3A_393 : vector<16xi32>
        %broadcast_in_dim3A_395 = vector.broadcast %sub3A_391 : f32 to vector<16xf32>
        %select_n3A_396 = arith.select %eq3A_394, %broadcast_in_dim3A_395, %select_n3A_360 : vector<16xi1>, vector<16xf32>
        %add3A_397 = arith.constant 7 : i32
        %add3A_398 = arith.addi %mul3A_148, %add3A_397 : i32
        %get3A_399 = arith.index_cast %add3A_398 : i32 to index
        %get3A_400 = arith.constant 0 : index
        %get3A_401 = tpu.vector_load %arg14[%get3A_399, %get3A_400] {strides = array<i32>} : memref<128x64xf32, #tpu.memory_space<vmem>>, vector<16xf32>,
        %sub3A_402 = arith.subf %get3A_118, %get3A_401 : vector<16xf32>
        %abs3A_403 = math.absf %sub3A_402 : vector<16xf32>
        %get3A_404 = arith.index_cast %add3A_398 : i32 to index
        %get3A_405 = arith.constant 16 : index
        %get3A_406 = tpu.vector_load %arg14[%get3A_404, %get3A_405] {strides = array<i32>} : memref<128x64xf32, #tpu.memory_space<vmem>>, vector<16xf32>,
        %sub3A_407 = arith.subf %get3A_121, %get3A_406 : vector<16xf32>
        %abs3A_408 = math.absf %sub3A_407 : vector<16xf32>
        %add3A_409 = arith.addf %abs3A_403, %abs3A_408 : vector<16xf32>
        %get3A_410 = arith.index_cast %add3A_398 : i32 to index
        %get3A_411 = arith.constant 32 : index
        %get3A_412 = tpu.vector_load %arg14[%get3A_410, %get3A_411] {strides = array<i32>} : memref<128x64xf32, #tpu.memory_space<vmem>>, vector<16xf32>,
        %sub3A_413 = arith.subf %get3A_124, %get3A_412 : vector<16xf32>
        %abs3A_414 = math.absf %sub3A_413 : vector<16xf32>
        %add3A_415 = arith.addf %add3A_409, %abs3A_414 : vector<16xf32>
        %get3A_416 = arith.index_cast %add3A_398 : i32 to index
        %get3A_417 = arith.constant 48 : index
        %get3A_418 = tpu.vector_load %arg14[%get3A_416, %get3A_417] {strides = array<i32>} : memref<128x64xf32, #tpu.memory_space<vmem>>, vector<16xf32>,
        %sub3A_419 = arith.subf %get3A_127, %get3A_418 : vector<16xf32>
        %abs3A_420 = math.absf %sub3A_419 : vector<16xf32>
        %add3A_421 = arith.addf %add3A_415, %abs3A_420 : vector<16xf32>
        %reduce_sum3A_422 = arith.constant true
        %reduce_sum3A_423 = vector.broadcast %reduce_sum3A_422 : i1 to vector<16xi1>
        %reduce_sum3A_424 = tpu.scan <sum>, %add3A_421 masked %reduce_sum3A_423 : vector<16xf32>, vector<16xi1> -> vector<16xf32>
        %reduce_sum3A_425 = vector.extract %reduce_sum3A_424[15] : f32 from vector<16xf32>
        %sub3A_426 = arith.constant 1.200000e+01 : f32
        %sub3A_427 = arith.subf %sub3A_426, %reduce_sum3A_425 : f32
        %eq3A_428 = arith.constant 7 : i32
        %eq3A_429 = vector.broadcast %eq3A_428 : i32 to vector<16xi32>
        %eq3A_430 = arith.cmpi eq, %iota3A, %eq3A_429 : vector<16xi32>
        %broadcast_in_dim3A_431 = vector.broadcast %sub3A_427 : f32 to vector<16xf32>
        %select_n3A_432 = arith.select %eq3A_430, %broadcast_in_dim3A_431, %select_n3A_396 : vector<16xi1>, vector<16xf32>
        %add3A_433 = arith.constant 8 : i32
        %add3A_434 = arith.addi %mul3A_148, %add3A_433 : i32
        %get3A_435 = arith.index_cast %add3A_434 : i32 to index
        %get3A_436 = arith.constant 0 : index
        %get3A_437 = tpu.vector_load %arg14[%get3A_435, %get3A_436] {strides = array<i32>} : memref<128x64xf32, #tpu.memory_space<vmem>>, vector<16xf32>,
        %sub3A_438 = arith.subf %get3A_118, %get3A_437 : vector<16xf32>
        %abs3A_439 = math.absf %sub3A_438 : vector<16xf32>
        %get3A_440 = arith.index_cast %add3A_434 : i32 to index
        %get3A_441 = arith.constant 16 : index
        %get3A_442 = tpu.vector_load %arg14[%get3A_440, %get3A_441] {strides = array<i32>} : memref<128x64xf32, #tpu.memory_space<vmem>>, vector<16xf32>,
        %sub3A_443 = arith.subf %get3A_121, %get3A_442 : vector<16xf32>
        %abs3A_444 = math.absf %sub3A_443 : vector<16xf32>
        %add3A_445 = arith.addf %abs3A_439, %abs3A_444 : vector<16xf32>
        %get3A_446 = arith.index_cast %add3A_434 : i32 to index
        %get3A_447 = arith.constant 32 : index
        %get3A_448 = tpu.vector_load %arg14[%get3A_446, %get3A_447] {strides = array<i32>} : memref<128x64xf32, #tpu.memory_space<vmem>>, vector<16xf32>,
        %sub3A_449 = arith.subf %get3A_124, %get3A_448 : vector<16xf32>
        %abs3A_450 = math.absf %sub3A_449 : vector<16xf32>
        %add3A_451 = arith.addf %add3A_445, %abs3A_450 : vector<16xf32>
        %get3A_452 = arith.index_cast %add3A_434 : i32 to index
        %get3A_453 = arith.constant 48 : index
        %get3A_454 = tpu.vector_load %arg14[%get3A_452, %get3A_453] {strides = array<i32>} : memref<128x64xf32, #tpu.memory_space<vmem>>, vector<16xf32>,
        %sub3A_455 = arith.subf %get3A_127, %get3A_454 : vector<16xf32>
        %abs3A_456 = math.absf %sub3A_455 : vector<16xf32>
        %add3A_457 = arith.addf %add3A_451, %abs3A_456 : vector<16xf32>
        %reduce_sum3A_458 = arith.constant true
        %reduce_sum3A_459 = vector.broadcast %reduce_sum3A_458 : i1 to vector<16xi1>
        %reduce_sum3A_460 = tpu.scan <sum>, %add3A_457 masked %reduce_sum3A_459 : vector<16xf32>, vector<16xi1> -> vector<16xf32>
        %reduce_sum3A_461 = vector.extract %reduce_sum3A_460[15] : f32 from vector<16xf32>
        %sub3A_462 = arith.constant 1.200000e+01 : f32
        %sub3A_463 = arith.subf %sub3A_462, %reduce_sum3A_461 : f32
        %eq3A_464 = arith.constant 8 : i32
        %eq3A_465 = vector.broadcast %eq3A_464 : i32 to vector<16xi32>
        %eq3A_466 = arith.cmpi eq, %iota3A, %eq3A_465 : vector<16xi32>
        %broadcast_in_dim3A_467 = vector.broadcast %sub3A_463 : f32 to vector<16xf32>
        %select_n3A_468 = arith.select %eq3A_466, %broadcast_in_dim3A_467, %select_n3A_432 : vector<16xi1>, vector<16xf32>
        %add3A_469 = arith.constant 9 : i32
        %add3A_470 = arith.addi %mul3A_148, %add3A_469 : i32
        %get3A_471 = arith.index_cast %add3A_470 : i32 to index
        %get3A_472 = arith.constant 0 : index
        %get3A_473 = tpu.vector_load %arg14[%get3A_471, %get3A_472] {strides = array<i32>} : memref<128x64xf32, #tpu.memory_space<vmem>>, vector<16xf32>,
        %sub3A_474 = arith.subf %get3A_118, %get3A_473 : vector<16xf32>
        %abs3A_475 = math.absf %sub3A_474 : vector<16xf32>
        %get3A_476 = arith.index_cast %add3A_470 : i32 to index
        %get3A_477 = arith.constant 16 : index
        %get3A_478 = tpu.vector_load %arg14[%get3A_476, %get3A_477] {strides = array<i32>} : memref<128x64xf32, #tpu.memory_space<vmem>>, vector<16xf32>,
        %sub3A_479 = arith.subf %get3A_121, %get3A_478 : vector<16xf32>
        %abs3A_480 = math.absf %sub3A_479 : vector<16xf32>
        %add3A_481 = arith.addf %abs3A_475, %abs3A_480 : vector<16xf32>
        %get3A_482 = arith.index_cast %add3A_470 : i32 to index
        %get3A_483 = arith.constant 32 : index
        %get3A_484 = tpu.vector_load %arg14[%get3A_482, %get3A_483] {strides = array<i32>} : memref<128x64xf32, #tpu.memory_space<vmem>>, vector<16xf32>,
        %sub3A_485 = arith.subf %get3A_124, %get3A_484 : vector<16xf32>
        %abs3A_486 = math.absf %sub3A_485 : vector<16xf32>
        %add3A_487 = arith.addf %add3A_481, %abs3A_486 : vector<16xf32>
        %get3A_488 = arith.index_cast %add3A_470 : i32 to index
        %get3A_489 = arith.constant 48 : index
        %get3A_490 = tpu.vector_load %arg14[%get3A_488, %get3A_489] {strides = array<i32>} : memref<128x64xf32, #tpu.memory_space<vmem>>, vector<16xf32>,
        %sub3A_491 = arith.subf %get3A_127, %get3A_490 : vector<16xf32>
        %abs3A_492 = math.absf %sub3A_491 : vector<16xf32>
        %add3A_493 = arith.addf %add3A_487, %abs3A_492 : vector<16xf32>
        %reduce_sum3A_494 = arith.constant true
        %reduce_sum3A_495 = vector.broadcast %reduce_sum3A_494 : i1 to vector<16xi1>
        %reduce_sum3A_496 = tpu.scan <sum>, %add3A_493 masked %reduce_sum3A_495 : vector<16xf32>, vector<16xi1> -> vector<16xf32>
        %reduce_sum3A_497 = vector.extract %reduce_sum3A_496[15] : f32 from vector<16xf32>
        %sub3A_498 = arith.constant 1.200000e+01 : f32
        %sub3A_499 = arith.subf %sub3A_498, %reduce_sum3A_497 : f32
        %eq3A_500 = arith.constant 9 : i32
        %eq3A_501 = vector.broadcast %eq3A_500 : i32 to vector<16xi32>
        %eq3A_502 = arith.cmpi eq, %iota3A, %eq3A_501 : vector<16xi32>
        %broadcast_in_dim3A_503 = vector.broadcast %sub3A_499 : f32 to vector<16xf32>
        %select_n3A_504 = arith.select %eq3A_502, %broadcast_in_dim3A_503, %select_n3A_468 : vector<16xi1>, vector<16xf32>
        %add3A_505 = arith.constant 10 : i32
        %add3A_506 = arith.addi %mul3A_148, %add3A_505 : i32
        %get3A_507 = arith.index_cast %add3A_506 : i32 to index
        %get3A_508 = arith.constant 0 : index
        %get3A_509 = tpu.vector_load %arg14[%get3A_507, %get3A_508] {strides = array<i32>} : memref<128x64xf32, #tpu.memory_space<vmem>>, vector<16xf32>,
        %sub3A_510 = arith.subf %get3A_118, %get3A_509 : vector<16xf32>
        %abs3A_511 = math.absf %sub3A_510 : vector<16xf32>
        %get3A_512 = arith.index_cast %add3A_506 : i32 to index
        %get3A_513 = arith.constant 16 : index
        %get3A_514 = tpu.vector_load %arg14[%get3A_512, %get3A_513] {strides = array<i32>} : memref<128x64xf32, #tpu.memory_space<vmem>>, vector<16xf32>,
        %sub3A_515 = arith.subf %get3A_121, %get3A_514 : vector<16xf32>
        %abs3A_516 = math.absf %sub3A_515 : vector<16xf32>
        %add3A_517 = arith.addf %abs3A_511, %abs3A_516 : vector<16xf32>
        %get3A_518 = arith.index_cast %add3A_506 : i32 to index
        %get3A_519 = arith.constant 32 : index
        %get3A_520 = tpu.vector_load %arg14[%get3A_518, %get3A_519] {strides = array<i32>} : memref<128x64xf32, #tpu.memory_space<vmem>>, vector<16xf32>,
        %sub3A_521 = arith.subf %get3A_124, %get3A_520 : vector<16xf32>
        %abs3A_522 = math.absf %sub3A_521 : vector<16xf32>
        %add3A_523 = arith.addf %add3A_517, %abs3A_522 : vector<16xf32>
        %get3A_524 = arith.index_cast %add3A_506 : i32 to index
        %get3A_525 = arith.constant 48 : index
        %get3A_526 = tpu.vector_load %arg14[%get3A_524, %get3A_525] {strides = array<i32>} : memref<128x64xf32, #tpu.memory_space<vmem>>, vector<16xf32>,
        %sub3A_527 = arith.subf %get3A_127, %get3A_526 : vector<16xf32>
        %abs3A_528 = math.absf %sub3A_527 : vector<16xf32>
        %add3A_529 = arith.addf %add3A_523, %abs3A_528 : vector<16xf32>
        %reduce_sum3A_530 = arith.constant true
        %reduce_sum3A_531 = vector.broadcast %reduce_sum3A_530 : i1 to vector<16xi1>
        %reduce_sum3A_532 = tpu.scan <sum>, %add3A_529 masked %reduce_sum3A_531 : vector<16xf32>, vector<16xi1> -> vector<16xf32>
        %reduce_sum3A_533 = vector.extract %reduce_sum3A_532[15] : f32 from vector<16xf32>
        %sub3A_534 = arith.constant 1.200000e+01 : f32
        %sub3A_535 = arith.subf %sub3A_534, %reduce_sum3A_533 : f32
        %eq3A_536 = arith.constant 10 : i32
        %eq3A_537 = vector.broadcast %eq3A_536 : i32 to vector<16xi32>
        %eq3A_538 = arith.cmpi eq, %iota3A, %eq3A_537 : vector<16xi32>
        %broadcast_in_dim3A_539 = vector.broadcast %sub3A_535 : f32 to vector<16xf32>
        %select_n3A_540 = arith.select %eq3A_538, %broadcast_in_dim3A_539, %select_n3A_504 : vector<16xi1>, vector<16xf32>
        %add3A_541 = arith.constant 11 : i32
        %add3A_542 = arith.addi %mul3A_148, %add3A_541 : i32
        %get3A_543 = arith.index_cast %add3A_542 : i32 to index
        %get3A_544 = arith.constant 0 : index
        %get3A_545 = tpu.vector_load %arg14[%get3A_543, %get3A_544] {strides = array<i32>} : memref<128x64xf32, #tpu.memory_space<vmem>>, vector<16xf32>,
        %sub3A_546 = arith.subf %get3A_118, %get3A_545 : vector<16xf32>
        %abs3A_547 = math.absf %sub3A_546 : vector<16xf32>
        %get3A_548 = arith.index_cast %add3A_542 : i32 to index
        %get3A_549 = arith.constant 16 : index
        %get3A_550 = tpu.vector_load %arg14[%get3A_548, %get3A_549] {strides = array<i32>} : memref<128x64xf32, #tpu.memory_space<vmem>>, vector<16xf32>,
        %sub3A_551 = arith.subf %get3A_121, %get3A_550 : vector<16xf32>
        %abs3A_552 = math.absf %sub3A_551 : vector<16xf32>
        %add3A_553 = arith.addf %abs3A_547, %abs3A_552 : vector<16xf32>
        %get3A_554 = arith.index_cast %add3A_542 : i32 to index
        %get3A_555 = arith.constant 32 : index
        %get3A_556 = tpu.vector_load %arg14[%get3A_554, %get3A_555] {strides = array<i32>} : memref<128x64xf32, #tpu.memory_space<vmem>>, vector<16xf32>,
        %sub3A_557 = arith.subf %get3A_124, %get3A_556 : vector<16xf32>
        %abs3A_558 = math.absf %sub3A_557 : vector<16xf32>
        %add3A_559 = arith.addf %add3A_553, %abs3A_558 : vector<16xf32>
        %get3A_560 = arith.index_cast %add3A_542 : i32 to index
        %get3A_561 = arith.constant 48 : index
        %get3A_562 = tpu.vector_load %arg14[%get3A_560, %get3A_561] {strides = array<i32>} : memref<128x64xf32, #tpu.memory_space<vmem>>, vector<16xf32>,
        %sub3A_563 = arith.subf %get3A_127, %get3A_562 : vector<16xf32>
        %abs3A_564 = math.absf %sub3A_563 : vector<16xf32>
        %add3A_565 = arith.addf %add3A_559, %abs3A_564 : vector<16xf32>
        %reduce_sum3A_566 = arith.constant true
        %reduce_sum3A_567 = vector.broadcast %reduce_sum3A_566 : i1 to vector<16xi1>
        %reduce_sum3A_568 = tpu.scan <sum>, %add3A_565 masked %reduce_sum3A_567 : vector<16xf32>, vector<16xi1> -> vector<16xf32>
        %reduce_sum3A_569 = vector.extract %reduce_sum3A_568[15] : f32 from vector<16xf32>
        %sub3A_570 = arith.constant 1.200000e+01 : f32
        %sub3A_571 = arith.subf %sub3A_570, %reduce_sum3A_569 : f32
        %eq3A_572 = arith.constant 11 : i32
        %eq3A_573 = vector.broadcast %eq3A_572 : i32 to vector<16xi32>
        %eq3A_574 = arith.cmpi eq, %iota3A, %eq3A_573 : vector<16xi32>
        %broadcast_in_dim3A_575 = vector.broadcast %sub3A_571 : f32 to vector<16xf32>
        %select_n3A_576 = arith.select %eq3A_574, %broadcast_in_dim3A_575, %select_n3A_540 : vector<16xi1>, vector<16xf32>
        %add3A_577 = arith.constant 12 : i32
        %add3A_578 = arith.addi %mul3A_148, %add3A_577 : i32
        %get3A_579 = arith.index_cast %add3A_578 : i32 to index
        %get3A_580 = arith.constant 0 : index
        %get3A_581 = tpu.vector_load %arg14[%get3A_579, %get3A_580] {strides = array<i32>} : memref<128x64xf32, #tpu.memory_space<vmem>>, vector<16xf32>,
        %sub3A_582 = arith.subf %get3A_118, %get3A_581 : vector<16xf32>
        %abs3A_583 = math.absf %sub3A_582 : vector<16xf32>
        %get3A_584 = arith.index_cast %add3A_578 : i32 to index
        %get3A_585 = arith.constant 16 : index
        %get3A_586 = tpu.vector_load %arg14[%get3A_584, %get3A_585] {strides = array<i32>} : memref<128x64xf32, #tpu.memory_space<vmem>>, vector<16xf32>,
        %sub3A_587 = arith.subf %get3A_121, %get3A_586 : vector<16xf32>
        %abs3A_588 = math.absf %sub3A_587 : vector<16xf32>
        %add3A_589 = arith.addf %abs3A_583, %abs3A_588 : vector<16xf32>
        %get3A_590 = arith.index_cast %add3A_578 : i32 to index
        %get3A_591 = arith.constant 32 : index
        %get3A_592 = tpu.vector_load %arg14[%get3A_590, %get3A_591] {strides = array<i32>} : memref<128x64xf32, #tpu.memory_space<vmem>>, vector<16xf32>,
        %sub3A_593 = arith.subf %get3A_124, %get3A_592 : vector<16xf32>
        %abs3A_594 = math.absf %sub3A_593 : vector<16xf32>
        %add3A_595 = arith.addf %add3A_589, %abs3A_594 : vector<16xf32>
        %get3A_596 = arith.index_cast %add3A_578 : i32 to index
        %get3A_597 = arith.constant 48 : index
        %get3A_598 = tpu.vector_load %arg14[%get3A_596, %get3A_597] {strides = array<i32>} : memref<128x64xf32, #tpu.memory_space<vmem>>, vector<16xf32>,
        %sub3A_599 = arith.subf %get3A_127, %get3A_598 : vector<16xf32>
        %abs3A_600 = math.absf %sub3A_599 : vector<16xf32>
        %add3A_601 = arith.addf %add3A_595, %abs3A_600 : vector<16xf32>
        %reduce_sum3A_602 = arith.constant true
        %reduce_sum3A_603 = vector.broadcast %reduce_sum3A_602 : i1 to vector<16xi1>
        %reduce_sum3A_604 = tpu.scan <sum>, %add3A_601 masked %reduce_sum3A_603 : vector<16xf32>, vector<16xi1> -> vector<16xf32>
        %reduce_sum3A_605 = vector.extract %reduce_sum3A_604[15] : f32 from vector<16xf32>
        %sub3A_606 = arith.constant 1.200000e+01 : f32
        %sub3A_607 = arith.subf %sub3A_606, %reduce_sum3A_605 : f32
        %eq3A_608 = arith.constant 12 : i32
        %eq3A_609 = vector.broadcast %eq3A_608 : i32 to vector<16xi32>
        %eq3A_610 = arith.cmpi eq, %iota3A, %eq3A_609 : vector<16xi32>
        %broadcast_in_dim3A_611 = vector.broadcast %sub3A_607 : f32 to vector<16xf32>
        %select_n3A_612 = arith.select %eq3A_610, %broadcast_in_dim3A_611, %select_n3A_576 : vector<16xi1>, vector<16xf32>
        %add3A_613 = arith.constant 13 : i32
        %add3A_614 = arith.addi %mul3A_148, %add3A_613 : i32
        %get3A_615 = arith.index_cast %add3A_614 : i32 to index
        %get3A_616 = arith.constant 0 : index
        %get3A_617 = tpu.vector_load %arg14[%get3A_615, %get3A_616] {strides = array<i32>} : memref<128x64xf32, #tpu.memory_space<vmem>>, vector<16xf32>,
        %sub3A_618 = arith.subf %get3A_118, %get3A_617 : vector<16xf32>
        %abs3A_619 = math.absf %sub3A_618 : vector<16xf32>
        %get3A_620 = arith.index_cast %add3A_614 : i32 to index
        %get3A_621 = arith.constant 16 : index
        %get3A_622 = tpu.vector_load %arg14[%get3A_620, %get3A_621] {strides = array<i32>} : memref<128x64xf32, #tpu.memory_space<vmem>>, vector<16xf32>,
        %sub3A_623 = arith.subf %get3A_121, %get3A_622 : vector<16xf32>
        %abs3A_624 = math.absf %sub3A_623 : vector<16xf32>
        %add3A_625 = arith.addf %abs3A_619, %abs3A_624 : vector<16xf32>
        %get3A_626 = arith.index_cast %add3A_614 : i32 to index
        %get3A_627 = arith.constant 32 : index
        %get3A_628 = tpu.vector_load %arg14[%get3A_626, %get3A_627] {strides = array<i32>} : memref<128x64xf32, #tpu.memory_space<vmem>>, vector<16xf32>,
        %sub3A_629 = arith.subf %get3A_124, %get3A_628 : vector<16xf32>
        %abs3A_630 = math.absf %sub3A_629 : vector<16xf32>
        %add3A_631 = arith.addf %add3A_625, %abs3A_630 : vector<16xf32>
        %get3A_632 = arith.index_cast %add3A_614 : i32 to index
        %get3A_633 = arith.constant 48 : index
        %get3A_634 = tpu.vector_load %arg14[%get3A_632, %get3A_633] {strides = array<i32>} : memref<128x64xf32, #tpu.memory_space<vmem>>, vector<16xf32>,
        %sub3A_635 = arith.subf %get3A_127, %get3A_634 : vector<16xf32>
        %abs3A_636 = math.absf %sub3A_635 : vector<16xf32>
        %add3A_637 = arith.addf %add3A_631, %abs3A_636 : vector<16xf32>
        %reduce_sum3A_638 = arith.constant true
        %reduce_sum3A_639 = vector.broadcast %reduce_sum3A_638 : i1 to vector<16xi1>
        %reduce_sum3A_640 = tpu.scan <sum>, %add3A_637 masked %reduce_sum3A_639 : vector<16xf32>, vector<16xi1> -> vector<16xf32>
        %reduce_sum3A_641 = vector.extract %reduce_sum3A_640[15] : f32 from vector<16xf32>
        %sub3A_642 = arith.constant 1.200000e+01 : f32
        %sub3A_643 = arith.subf %sub3A_642, %reduce_sum3A_641 : f32
        %eq3A_644 = arith.constant 13 : i32
        %eq3A_645 = vector.broadcast %eq3A_644 : i32 to vector<16xi32>
        %eq3A_646 = arith.cmpi eq, %iota3A, %eq3A_645 : vector<16xi32>
        %broadcast_in_dim3A_647 = vector.broadcast %sub3A_643 : f32 to vector<16xf32>
        %select_n3A_648 = arith.select %eq3A_646, %broadcast_in_dim3A_647, %select_n3A_612 : vector<16xi1>, vector<16xf32>
        %add3A_649 = arith.constant 14 : i32
        %add3A_650 = arith.addi %mul3A_148, %add3A_649 : i32
        %get3A_651 = arith.index_cast %add3A_650 : i32 to index
        %get3A_652 = arith.constant 0 : index
        %get3A_653 = tpu.vector_load %arg14[%get3A_651, %get3A_652] {strides = array<i32>} : memref<128x64xf32, #tpu.memory_space<vmem>>, vector<16xf32>,
        %sub3A_654 = arith.subf %get3A_118, %get3A_653 : vector<16xf32>
        %abs3A_655 = math.absf %sub3A_654 : vector<16xf32>
        %get3A_656 = arith.index_cast %add3A_650 : i32 to index
        %get3A_657 = arith.constant 16 : index
        %get3A_658 = tpu.vector_load %arg14[%get3A_656, %get3A_657] {strides = array<i32>} : memref<128x64xf32, #tpu.memory_space<vmem>>, vector<16xf32>,
        %sub3A_659 = arith.subf %get3A_121, %get3A_658 : vector<16xf32>
        %abs3A_660 = math.absf %sub3A_659 : vector<16xf32>
        %add3A_661 = arith.addf %abs3A_655, %abs3A_660 : vector<16xf32>
        %get3A_662 = arith.index_cast %add3A_650 : i32 to index
        %get3A_663 = arith.constant 32 : index
        %get3A_664 = tpu.vector_load %arg14[%get3A_662, %get3A_663] {strides = array<i32>} : memref<128x64xf32, #tpu.memory_space<vmem>>, vector<16xf32>,
        %sub3A_665 = arith.subf %get3A_124, %get3A_664 : vector<16xf32>
        %abs3A_666 = math.absf %sub3A_665 : vector<16xf32>
        %add3A_667 = arith.addf %add3A_661, %abs3A_666 : vector<16xf32>
        %get3A_668 = arith.index_cast %add3A_650 : i32 to index
        %get3A_669 = arith.constant 48 : index
        %get3A_670 = tpu.vector_load %arg14[%get3A_668, %get3A_669] {strides = array<i32>} : memref<128x64xf32, #tpu.memory_space<vmem>>, vector<16xf32>,
        %sub3A_671 = arith.subf %get3A_127, %get3A_670 : vector<16xf32>
        %abs3A_672 = math.absf %sub3A_671 : vector<16xf32>
        %add3A_673 = arith.addf %add3A_667, %abs3A_672 : vector<16xf32>
        %reduce_sum3A_674 = arith.constant true
        %reduce_sum3A_675 = vector.broadcast %reduce_sum3A_674 : i1 to vector<16xi1>
        %reduce_sum3A_676 = tpu.scan <sum>, %add3A_673 masked %reduce_sum3A_675 : vector<16xf32>, vector<16xi1> -> vector<16xf32>
        %reduce_sum3A_677 = vector.extract %reduce_sum3A_676[15] : f32 from vector<16xf32>
        %sub3A_678 = arith.constant 1.200000e+01 : f32
        %sub3A_679 = arith.subf %sub3A_678, %reduce_sum3A_677 : f32
        %eq3A_680 = arith.constant 14 : i32
        %eq3A_681 = vector.broadcast %eq3A_680 : i32 to vector<16xi32>
        %eq3A_682 = arith.cmpi eq, %iota3A, %eq3A_681 : vector<16xi32>
        %broadcast_in_dim3A_683 = vector.broadcast %sub3A_679 : f32 to vector<16xf32>
        %select_n3A_684 = arith.select %eq3A_682, %broadcast_in_dim3A_683, %select_n3A_648 : vector<16xi1>, vector<16xf32>
        %add3A_685 = arith.constant 15 : i32
        %add3A_686 = arith.addi %mul3A_148, %add3A_685 : i32
        %get3A_687 = arith.index_cast %add3A_686 : i32 to index
        %get3A_688 = arith.constant 0 : index
        %get3A_689 = tpu.vector_load %arg14[%get3A_687, %get3A_688] {strides = array<i32>} : memref<128x64xf32, #tpu.memory_space<vmem>>, vector<16xf32>,
        %sub3A_690 = arith.subf %get3A_118, %get3A_689 : vector<16xf32>
        %abs3A_691 = math.absf %sub3A_690 : vector<16xf32>
        %get3A_692 = arith.index_cast %add3A_686 : i32 to index
        %get3A_693 = arith.constant 16 : index
        %get3A_694 = tpu.vector_load %arg14[%get3A_692, %get3A_693] {strides = array<i32>} : memref<128x64xf32, #tpu.memory_space<vmem>>, vector<16xf32>,
        %sub3A_695 = arith.subf %get3A_121, %get3A_694 : vector<16xf32>
        %abs3A_696 = math.absf %sub3A_695 : vector<16xf32>
        %add3A_697 = arith.addf %abs3A_691, %abs3A_696 : vector<16xf32>
        %get3A_698 = arith.index_cast %add3A_686 : i32 to index
        %get3A_699 = arith.constant 32 : index
        %get3A_700 = tpu.vector_load %arg14[%get3A_698, %get3A_699] {strides = array<i32>} : memref<128x64xf32, #tpu.memory_space<vmem>>, vector<16xf32>,
        %sub3A_701 = arith.subf %get3A_124, %get3A_700 : vector<16xf32>
        %abs3A_702 = math.absf %sub3A_701 : vector<16xf32>
        %add3A_703 = arith.addf %add3A_697, %abs3A_702 : vector<16xf32>
        %get3A_704 = arith.index_cast %add3A_686 : i32 to index
        %get3A_705 = arith.constant 48 : index
        %get3A_706 = tpu.vector_load %arg14[%get3A_704, %get3A_705] {strides = array<i32>} : memref<128x64xf32, #tpu.memory_space<vmem>>, vector<16xf32>,
        %sub3A_707 = arith.subf %get3A_127, %get3A_706 : vector<16xf32>
        %abs3A_708 = math.absf %sub3A_707 : vector<16xf32>
        %add3A_709 = arith.addf %add3A_703, %abs3A_708 : vector<16xf32>
        %reduce_sum3A_710 = arith.constant true
        %reduce_sum3A_711 = vector.broadcast %reduce_sum3A_710 : i1 to vector<16xi1>
        %reduce_sum3A_712 = tpu.scan <sum>, %add3A_709 masked %reduce_sum3A_711 : vector<16xf32>, vector<16xi1> -> vector<16xf32>
        %reduce_sum3A_713 = vector.extract %reduce_sum3A_712[15] : f32 from vector<16xf32>
        %sub3A_714 = arith.constant 1.200000e+01 : f32
        %sub3A_715 = arith.subf %sub3A_714, %reduce_sum3A_713 : f32
        %eq3A_716 = arith.constant 15 : i32
        %eq3A_717 = vector.broadcast %eq3A_716 : i32 to vector<16xi32>
        %eq3A_718 = arith.cmpi eq, %iota3A, %eq3A_717 : vector<16xi32>
        %broadcast_in_dim3A_719 = vector.broadcast %sub3A_715 : f32 to vector<16xf32>
        %select_n3A_720 = arith.select %eq3A_718, %broadcast_in_dim3A_719, %select_n3A_684 : vector<16xi1>, vector<16xf32>
        %swap3A = arith.index_cast %mul3A_148 : i32 to index
        %swap3A_721 = tpu.vector_load %arg16[%swap3A] {strides = array<i32>} : memref<128xf32, #tpu.memory_space<vmem>>, vector<16xf32>,
        tpu.vector_store %arg16[%swap3A], %select_n3A_720 {strides = array<i32>} : memref<128xf32, #tpu.memory_space<vmem>>, vector<16xf32>,
      }
      %scan3A_133 = arith.constant 8 : i32
      %add3A_134 = arith.addi %mul3A_4, %add3A_104 : i32
      %dma_start3A_135 = arith.constant 0 : i32
      %dma_start3A_136 = tpu.memref_slice %arg7[%add3A_134, %dma_start3A_135] : memref<2048x128xf32, #tpu.memory_space<hbm>> -> memref<1x128xf32, #tpu.memory_space<hbm>>
      %dma_start3A_137 = tpu.memref_squeeze %dma_start3A_136 : memref<1x128xf32, #tpu.memory_space<hbm>> -> memref<128xf32, #tpu.memory_space<hbm>>
      %dma_start3A_138 = arith.constant 0 : i32
      %dma_start3A_139 = tpu.memref_slice %arg7[%add3A_134, %dma_start3A_138] : memref<2048x128xf32, #tpu.memory_space<hbm>> -> memref<1x128xf32, #tpu.memory_space<hbm>>
      %dma_start3A_140 = tpu.memref_squeeze %dma_start3A_139 : memref<1x128xf32, #tpu.memory_space<hbm>> -> memref<128xf32, #tpu.memory_space<hbm>>
      tpu.enqueue_dma source(%arg16 : memref<128xf32, #tpu.memory_space<vmem>>) target(%dma_start3A_140 : memref<128xf32, #tpu.memory_space<hbm>>) target_semaphore(%arg20 : memref<!tpu.dma_semaphore, #tpu.memory_space<semaphore_mem>>)
      %lt3A_141 = arith.constant 31 : i32
      %lt3A_142 = arith.cmpi slt, %scan3A_60, %lt3A_141 : i32
      %convert_element_type3A_143 = arith.extui %lt3A_142 : i1 to i32
      %cond3A_144 = arith.constant 0 : i32
      %cond3A_145 = arith.cmpi ne, %convert_element_type3A_143, %cond3A_144 : i32
      scf.if %cond3A_145 {
        %add3A_146 = arith.constant 2 : i32
        %add3A_147 = arith.addi %add3A_104, %add3A_146 : i32
        %dma_start3A_148 = arith.constant 0 : i32
        %dma_start3A_149 = tpu.memref_slice %arg12[%add3A_147, %dma_start3A_148] : memref<64x128xi32, #tpu.memory_space<vmem>> -> memref<1x128xi32, #tpu.memory_space<vmem>>
        %dma_start3A_150 = tpu.memref_squeeze %dma_start3A_149 : memref<1x128xi32, #tpu.memory_space<vmem>> -> memref<128xi32, #tpu.memory_space<vmem>>
        %dma_start3A_151 = arith.constant 0 : i32
        %dma_start3A_152 = arith.constant 0 : i32
        %dma_start3A_153 = tpu.memref_slice %arg5[%dma_start3A_151, %dma_start3A_152] : memref<1000000x64xf32, #tpu.memory_space<hbm>> -> memref<1000000x64xf32, #tpu.memory_space<hbm>>
        tpu.enqueue_indirect_dma source(%dma_start3A_153 : memref<1000000x64xf32, #tpu.memory_space<hbm>>) target(%arg14 : memref<128x64xf32, #tpu.memory_space<vmem>>) offsets(%dma_start3A_150 : memref<128xi32, #tpu.memory_space<vmem>>) semaphore(%arg18 : memref<!tpu.dma_semaphore, #tpu.memory_space<semaphore_mem>>)
      } else {
      }
    }
    %scan3A_47 = arith.constant 32 : i32
    %dma_wait3A_48 = arith.constant 0 : i32
    %dma_wait3A_49 = tpu.memref_slice %arg7[%mul3A_4, %dma_wait3A_48] : memref<2048x128xf32, #tpu.memory_space<hbm>> -> memref<1x128xf32, #tpu.memory_space<hbm>>
    %dma_wait3A_50 = tpu.memref_squeeze %dma_wait3A_49 : memref<1x128xf32, #tpu.memory_space<hbm>> -> memref<128xf32, #tpu.memory_space<hbm>>
    %dma_wait3A_51 = arith.constant 0 : i32
    %dma_wait3A_52 = tpu.memref_slice %arg7[%mul3A_4, %dma_wait3A_51] : memref<2048x128xf32, #tpu.memory_space<hbm>> -> memref<1x128xf32, #tpu.memory_space<hbm>>
    %dma_wait3A_53 = tpu.memref_squeeze %dma_wait3A_52 : memref<1x128xf32, #tpu.memory_space<hbm>> -> memref<128xf32, #tpu.memory_space<hbm>>
    tpu.wait_dma2 semaphore(%arg19 : memref<!tpu.dma_semaphore, #tpu.memory_space<semaphore_mem>>) src(%arg15 : memref<128xf32, #tpu.memory_space<vmem>>) dst(%dma_wait3A_53 : memref<128xf32, #tpu.memory_space<hbm>>)
    %dma_wait3A_54 = arith.constant 0 : i32
    %dma_wait3A_55 = tpu.memref_slice %arg7[%mul3A_4, %dma_wait3A_54] : memref<2048x128xf32, #tpu.memory_space<hbm>> -> memref<1x128xf32, #tpu.memory_space<hbm>>
    %dma_wait3A_56 = tpu.memref_squeeze %dma_wait3A_55 : memref<1x128xf32, #tpu.memory_space<hbm>> -> memref<128xf32, #tpu.memory_space<hbm>>
    %dma_wait3A_57 = arith.constant 0 : i32
    %dma_wait3A_58 = tpu.memref_slice %arg7[%mul3A_4, %dma_wait3A_57] : memref<2048x128xf32, #tpu.memory_space<hbm>> -> memref<1x128xf32, #tpu.memory_space<hbm>>
    %dma_wait3A_59 = tpu.memref_squeeze %dma_wait3A_58 : memref<1x128xf32, #tpu.memory_space<hbm>> -> memref<128xf32, #tpu.memory_space<hbm>>
    tpu.wait_dma2 semaphore(%arg20 : memref<!tpu.dma_semaphore, #tpu.memory_space<semaphore_mem>>) src(%arg16 : memref<128xf32, #tpu.memory_space<vmem>>) dst(%dma_wait3A_59 : memref<128xf32, #tpu.memory_space<hbm>>)
    return
  }
}

</mosaic_0001>

<sc_bundles>
// kernel: kernel.3.cloned.1.call-start
scs
__scs_entry_jumppad:
0x0: {  	(pc) =	sbr.rel $0x88, $3  }
0x1: {  	(tag) =	ssettag $0x0;
	lr =	simm.s32 $0x1  }
0x2: {  	[smem:$0x3F9D] =	sst lr;
	_ =	strace $0xD0000000  }
0x3: {  	_ = 	snop  }
0x4: {  	_ = 	snop  }
0x5: {  	_ = 	snop  }
0x6: {  	_ = 	snop  }
0x7: {  	_ = 	snop  }
__scs_overlays_trampoline_lowered:
0x8: {  	[smem:$0x3FAC] =	sst s0  }
0x9: {  	[smem:$0x3FAD] =	sst s1  }
0xa: {  	[smem:$0x3FAE] =	sst s2  }
0xb: {  	[smem:$0x3FAF] =	sst s3  }
0xc: {  	[smem:$0x3FB0] =	sst s4  }
0xd: {  	[smem:$0x3FB1] =	sst s5  }
0xe: {  	[smem:$0x3FB2] =	sst s6  }
0xf: {  	[smem:$0x3FB3] =	sst s7  }
0x10: {  	[smem:$0x3FB4] =	sst s8  }
0x11: {  	[smem:$0x3FB5] =	sst s9;
	s0 =	simm.s32 @!p0 $0x0  }
0x12: {  	s1 =	sld [smem:$0x3F9B];
	s0 =	simm.s32 @p0 $0x1  }
0x13: {  	[smem:$0x3FB6] =	sst s0;
	s0 =	simm.s32 @!p1 $0x0  }
0x14: {  	s2 =	sld [smem:$0x3F9A];
	s0 =	simm.s32 @p1 $0x1  }
0x15: {  	[smem:$0x3FB7] =	sst s0;
	s0 =	simm.s32 @!p2 $0x0  }
0x16: {  	s3 =	sld [smem:$0x3FDB];
	s0 =	simm.s32 @p2 $0x1  }
0x17: {  	s4 =	simm.s32 $0x1BF5;
	[smem:$0x3FB9] =	sst s0  }
0x18: {  	s0 =	sld [smem:$0x3F9C];
	_ =	swait.ge [sflag:s4], $0x0  }
0x19: {  	s7 =	sld [smem:$0x3F9D]  }
0x1a: {  	s8 =	sadd.s32 $0xFFFFE003, lr  }
0x1b: {  	s9 =	sadd.s32 $0xFFFFFEF7, lr;
	s5 =	simm.s32 $0xFFFFFFFF;
	p2 =	slt.u32 s8, $0xFFFFF086  }
0x1c: {  	p1 =	slt.u32 s9, $0xF7A;
	s5 =	simm.s32 @!p2 $0x0  }
0x1d: {  	s5 =	simm.s32 @p1 $0x1;
	p0 =	seq.s32 s7, s2  }
0x1e: {  	s7 =	smul.u32 @!p0 $0xF7A, s2;
	p2 =	seq.s32 @!p0 s5, $0x0  }
0x1f: {  	s9 =	smul.u32 $0xF7A, s1;
	s8 =	simm.s32 @!p0 $0x1BF5;
	p2 =	por !p2, p0  }
0x20: {  	[sflag:s8] =	ssyncset.s32 @!p0 $0xFFFFF086;
	s6 =	sadd.s32 @!p0 s3, s7;
	s7 =	simm.s32 @!p0 $0x108  }
0x21: {  	s3 =	sadd.s32 s3, s9;
	s6 =	sadd.s32 @!p0 $0x88, s6;
	s7 =	simm.s32 @p2 $0x1082  }
0x22: {  	[simem:s7], [sflag:s8] =	dma.local @!p0 [hbm:s6], $0xF7A  }
0x23: {  	s9 =	sor.u32 $0xD0000000, s2;
	s6 =	simm.s32 $0x108;
	_ =	swait.ge @!p0 [sflag:s8], $0x0  }
0x24: {  	s3 =	sadd.s32 $0x88, s3;
	s6 =	simm.s32 @!p1 $0x1082;
	[sflag:s4] =	ssyncset.s32 $0xFFFFF086  }
0x25: {  	[simem:s6], [sflag:s4] =	dma.local [hbm:s3], $0xF7A  }
0x26: {  	[smem:$0x3F9D] =	sst s1;
	(tag) =	ssettag s2;
	_ =	strace s9  }
0x27: {  	s1 =	sld [smem:$0x3FAD]  }
0x28: {  	s2 =	sld [smem:$0x3FAE]  }
0x29: {  	s4 =	sld [smem:$0x3FB0]  }
0x2a: {  	p0 =	seq.s32 s5, $0x0;
	s5 =	sld [smem:$0x3FB1]  }
0x2b: {  	s6 =	sld [smem:$0x3FB2]  }
0x2c: {  	s7 =	sld [smem:$0x3FB3]  }
0x2d: {  	s3 =	simm.s32 $0x108;
	s8 =	sld [smem:$0x3FB4]  }
0x2e: {  	s3 =	simm.s32 @!p0 $0x1082;
	s9 =	sld [smem:$0x3FB5]  }
0x2f: {  	lr =	sadd.s32 s0, s3;
	s0 =	sld [smem:$0x3FAC]  }
0x30: {  	s3 =	sld [smem:$0x3FAF]  }
0x31: {  	[smem:$0x3FB8] =	sst s10  }
0x32: {  	s10 =	sld [smem:$0x3FB6];
	_ =	sdelay $0x3  }
0x33: {  	p0 =	seq.s32 s10, $0x1;
	s10 =	sld [smem:$0x3FB8];
	_ =	sdelay $0x3  }
0x34: {  	[smem:$0x3FB8] =	sst s10  }
0x35: {  	s10 =	sld [smem:$0x3FB7];
	_ =	sdelay $0x3  }
0x36: {  	p1 =	seq.s32 s10, $0x1;
	s10 =	sld [smem:$0x3FB8];
	_ =	sdelay $0x3  }
0x37: {  	[smem:$0x3FB8] =	sst s10  }
0x38: {  	s10 =	sld [smem:$0x3FB9]  }
0x39: {  	_ = 	snop;
	(pc) =	sbr.ind lr, $3  }
0x3a: {  	_ = 	snop  }
0x3b: {  	_ = 	snop  }
0x3c: {  	p2 =	seq.s32 s10, $0x1;
	s10 =	sld [smem:$0x3FB8]  }
0x3d: {  	_ =	shalt  }
0x3e: {  	_ =	shalt  }
0x3f: {  	_ =	shalt  }
0x40: {  	_ =	shalt  }
0x41: {  	_ =	shalt  }
0x42: {  	_ =	shalt  }
0x43: {  	_ =	shalt  }
0x44: {  	_ =	shalt  }
0x45: {  	_ =	shalt  }
0x46: {  	_ =	shalt  }
0x47: {  	_ =	shalt  }
0x48: {  	_ =	shalt  }
0x49: {  	_ =	shalt  }
0x4a: {  	_ =	shalt  }
0x4b: {  	_ =	shalt  }
0x4c: {  	_ =	shalt  }
0x4d: {  	_ =	shalt  }
0x4e: {  	_ =	shalt  }
0x4f: {  	_ =	shalt  }
0x50: {  	_ =	shalt  }
0x51: {  	_ =	shalt  }
0x52: {  	_ =	shalt  }
0x53: {  	_ =	shalt  }
0x54: {  	_ =	shalt  }
0x55: {  	_ =	shalt  }
0x56: {  	_ =	shalt  }
0x57: {  	_ =	shalt  }
0x58: {  	_ =	shalt  }
0x59: {  	_ =	shalt  }
0x5a: {  	_ =	shalt  }
0x5b: {  	_ =	shalt  }
0x5c: {  	_ =	shalt  }
0x5d: {  	_ =	shalt  }
0x5e: {  	_ =	shalt  }
0x5f: {  	_ =	shalt  }
0x60: {  	_ =	shalt  }
0x61: {  	_ =	shalt  }
0x62: {  	_ =	shalt  }
0x63: {  	_ =	shalt  }
0x64: {  	_ =	shalt  }
0x65: {  	_ =	shalt  }
0x66: {  	_ =	shalt  }
0x67: {  	_ =	shalt  }
0x68: {  	_ =	shalt  }
0x69: {  	_ =	shalt  }
0x6a: {  	_ =	shalt  }
0x6b: {  	_ =	shalt  }
0x6c: {  	_ =	shalt  }
0x6d: {  	_ =	shalt  }
0x6e: {  	_ =	shalt  }
0x6f: {  	_ =	shalt  }
0x70: {  	_ =	shalt  }
0x71: {  	_ =	shalt  }
0x72: {  	_ =	shalt  }
0x73: {  	_ =	shalt  }
0x74: {  	_ =	shalt  }
0x75: {  	_ =	shalt  }
0x76: {  	_ =	shalt  }
0x77: {  	_ =	shalt  }
0x78: {  	_ =	shalt  }
0x79: {  	_ =	shalt  }
0x7a: {  	_ =	shalt  }
0x7b: {  	_ =	shalt  }
0x7c: {  	_ =	shalt  }
0x7d: {  	_ =	shalt  }
0x7e: {  	_ =	shalt  }
0x7f: {  	_ =	shalt  }
0x80: {  	_ =	shalt  }
0x81: {  	_ =	shalt  }
0x82: {  	_ =	shalt  }
0x83: {  	_ =	shalt  }
0x84: {  	_ =	shalt  }
0x85: {  	_ =	shalt  }
0x86: {  	_ =	shalt  }
0x87: {  	_ =	shalt  }
.Lfunc_end0:
.L_simem_size_0:
called_computation_lowered:
.L_overlay_start_0:
0x88: {  	s2 =	sld [smem:$0x3FD9]  }
0x89: {  	s3 =	sld [smem:$0x3FFE];
	_ =	sdelay $0x1  }
0x8a: {  	s1 =	srdreg.scid  }
0x8b: {  	s0 =	sand.u32 $0x1, s1  }
0x8c: {  	s17 =	sshll.u32 s0, $0xA;
	s2 =	sadd.s32 s3, s2  }
0x8d: {  	s2 =	sadd.s32 s2, s17  }
0x8e: {  	[smem:$0x3FC4] =	sst s2  }
0x8f: {  	_ = 	snop  }
0x90: {  	s2 =	sld [smem:$0x3FD0];
	(tm) =	ssettm $0x1  }
0x91: {  	s18 =	sld [smem:$0x3FFB];
	_ =	sdelay $0x3  }
0x92: {  	_ =	strace s18  }
0x93: {  	s3 =	sld [smem:$0x3FFC];
	_ =	sdelay $0x3  }
0x94: {  	_ =	strace s3  }
0x95: {  	s3 =	sld [smem:$0x3FFD];
	_ =	sdelay $0x3  }
0x96: {  	_ =	strace s3  }
0x97: {  	_ =	strace $0x8FFFFFFF  }
0x98: {  	s19 =	sld [smem:$0x3FDB];
	_ =	sdelay $0x1  }
0x99: {  	s4 =	simm.s32 $_scs_section_size  }
0x9a: {  	s5 =	simm.s32 $_size__tile_overlayer_lowered;
	s6 =	simm.s32 $_tile_overlayer_lowered  }
0x9b: {  	s22 =	simm.s32 $0x1BFF;
	s21 =	sshll.u32 s6, $0x1;
	s3 =	sadd.s32 s4, s19  }
0x9c: {  	s7 =	simm.s32 $0x0;
	s20 =	sshll.u32 s5, $0x1;
	s5 =	sadd.s32 s21, s3  }
0x9d: {  	[timem:s7], [sflag:s22] =	dma.local [hbm:s5], s20  }
0x9e: {  	_ =	swait.ge [sflag:s22], s20  }
0x9f: {  	s4 =	ssub.s32 $0x0, s20;
	[sflag:s22] =	ssyncset.done $0x0  }
0xa0: {  	[sflag:s22] =	ssyncadd.s32 s4;
	_ =	sdelay $0x1  }
0xa1: {  	s23 =	simm.s32 $0x1B8B  }
0xa2: {  	_ =	swait.ge [sflag:s23], $0x1  }
0xa3: {  	[sflag:s23] =	ssyncset.done $0x0  }
0xa4: {  	s25 =	simm.s32 $0x1B8E;
	s24 =	sld [smem:$0x3FFE];
	[sflag:s23] =	ssyncadd.s32 $0xFFFFFFFF  }
0xa5: {  	s26 =	simm.s32 $execute0_lowered;
	[smem:$0x3FD2] =	sst s25  }
0xa6: {  	s5 =	sshll.u32 s26, $0x1;
	_ =	strace $0x80000046;
	[dreg:$0x1] =	wrdreg $0xFFFFFFFF  }
0xa7: {  	s28 =	simm.s32 $_size_execute0_lowered;
	s3 =	sadd.s32 s3, s5;
	[dreg:$0x0] =	wrdreg $0x0  }
0xa8: {  	s5 =	sshll.u32 s28, $0x1;
	[dreg:$0x2] =	wrdreg s3  }
0xa9: {  	[dreg:$0x3] =	wrdreg s5  }
0xaa: {  	[dreg:$0x4] =	wrdreg $0xC0  }
0xab: {  	_ =	task [dreg:s7], $0x5FFFF  }
0xac: {  	[dreg:$0x1] =	wrdreg $0xFFFFFFFF  }
0xad: {  	[dreg:$0x0] =	wrdreg $0x60  }
0xae: {  	[dreg:$0x2] =	wrdreg s24  }
0xaf: {  	[dreg:$0x3] =	wrdreg s2  }
0xb0: {  	[dreg:$0x4] =	wrdreg $0x9  }
0xb1: {  	_ =	task.clear_ibuf [dreg:s7], $0x5FFFF;
	_ =	strace $0x90000046  }
0xb2: {  	s29 =	simm.s32 $0x9;
	_ =	strace $0x80000048  }
0xb3: {  	_ =	swait.ge [sflag:s29], $0x1  }
0xb4: {  	[sflag:s29] =	ssyncadd.s32 $0xFFFFFFFF  }
0xb5: {  	_ =	strace $0x90000048  }
0xb6: {  	_ =	sfence  }
0xb7: {  	s30 =	sld [smem:$0x0];
	_ =	sdelay $0x2  }
0xb8: {  	s31 =	sshll.u32 s1, $0xD;
	s1 =	sshrl.u32 s1, $0x2  }
0xb9: {  	s3 =	sand.u32 $0x4000, s31;
	s1 =	sadd.s32 s1, s30  }
0xba: {  	s0 =	sor.u32 s3, s0;
	s1 =	sshll.u32 s1, $0x11  }
0xbb: {  	s0 =	sor.u32 s1, s0  }
0xbc: {  	s0 =	sadd.s32 $0x8F2B, s0  }
0xbd: {  	[sflag:s0] =	ssyncadd.remote.s32 $0x1  }
0xbe: {  	_ =	sfence.sel $0xFFFF  }
0xbf: {  	[dreg:$0x0] =	wrdreg $0xFFFFFFFF;
	(pc) =	sbr.abs _section_cstart, $3  }
0xc0: {  	[dreg:$0x1] =	wrdreg $0xFFFFFFFF  }
0xc1: {  	_ =	task.clear_ibuf [dreg:s7], $0x2FFFF;
	_ =	strace $0x9FFFFFFF  }
0xc2: {  	(tm) =	ssettm $0x7FFFFFFF  }
0xc3: {  	_ =	shalt  }
tec
execute0_lowered:
.L_overlay_start_1:
0x0: {  	(tag) =	ssettag $0x1  }
0x1: {  	s0 =	rddreg [dreg:$0x0]  }
0x2: {  	s1 =	rddreg [dreg:$0x1]  }
0x3: {  	s3 =	srdreg.scid;
	s5 =	stileid.u32;
	s2 =	simm.s32 $0x0  }
0x4: {  	s11 =	simm.s32 $0x6;
	s12 =	simm.s32 $0x20;
	s13 =	simm.s32 $0x1040  }
0x5: {  	s16 =	simm.s32 $0x5;
	s17 =	simm.s32 $0x80;
	s20 =	simm.s32 $0x5040  }
0x6: {  	s21 =	simm.s32 $0x1;
	s22 =	simm.s32 $0x7040;
	s23 =	simm.s32 $0x2  }
0x7: {  	s24 =	simm.s32 $0x70C0;
	s25 =	simm.s32 $0x3;
	s26 =	simm.s32 $0x4  }
0x8: {  	s28 =	simm.s32 $0x0;
	s4 =	sand.u32 $0x1, s3;
	s30 =	sshll.u32 s5, $0x1  }
0x9: {  	[smem:$0x7FF] =	sst s2;
	s5 =	sadd.s32 $0x2E00, s0;
	s7 =	sor.u32 s4, s30  }
.Ltmp0:
0xa: {  	vm0 =	vcmask $0x300;
	vm1 =	vcmask $0x704;
	vm2 =	vcmask $0xB08;
	_ =	strace $0x80000047;
	s6 =	ssub.s32 $0x2, s4;
	(pc) =	sbr.rel .LBB2_1-.Ltmp0, $4  }
0xb: {  	vm3 =	vcmask $0xF0C;
	vm4 =	vcmask $0x1310;
	vm5 =	vcmask $0x1714;
	s4 =	sadd.s32 $0xE00, s0;
	s3 =	sshll.u32 s7, $0x2;
	s31 =	sshrl.u32 s6, $0x1  }
0xc: {  	vm6 =	vcmask $0x1B18;
	vm7 =	vcmask $0x1F1C;
	vm8 =	vcmask $0x2320;
	s9 =	sshll.u32 s7, $0xA;
	s8 =	sadd.s32 s3, s0;
	s3 =	sadd.s32 $0xF43200, s0  }
0xd: {  	vm9 =	vcmask $0x2724;
	vm10 =	vcmask $0x2B28;
	vm11 =	vcmask $0x2F2C;
	s0 =	ssub.s32 s6, s31;
	s6 =	sshll.u32 s7, $0x6;
	s9 =	sadd.s32 s1, s9  }
0xe: {  	vm12 =	vcmask $0x3330;
	vm13 =	vcmask $0x3734;
	vm14 =	vcmask $0x3B38;
	s7 =	sadd.s32 $0xC00, s8;
	s8 =	sadd.s32 $0xA00, s8;
	s10 =	smax.u32 s0, $0x1  }
.LBB2_10:
0xf: {  	s28 =	sadd.s32 $0x1, s28  }
0x10: {  	_ =	swait.ge [sflag:s25], $0x80;
	p0 =	sne.s32 s28, s10  }
.Ltmp1:
0x11: {  	[sflag:s25] =	ssyncset.done $0x0;
	(pc) =	sbr.rel @!p0 .LBB2_11-.Ltmp1, $4  }
0x12: {  	[sflag:s25] =	ssyncadd.s32 $0xFFFFFF80  }
0x13: {  	_ =	swait.ge [sflag:s26], $0x80  }
0x14: {  	[sflag:s26] =	ssyncset.done $0x0  }
0x15: {  	[sflag:s26] =	ssyncadd.s32 $0xFFFFFF80  }
.LBB2_1:
0x16: {  	[tilespmem:s2], [sflag:$0x6] =	stream.linear.gather [hbm4b:s7+s2], $0x20, $0x38;
	[tilespmem:$0x7140] =	vst v63  }
0x17: {  	_ =	swait.ge [sflag:s11], $0x20  }
0x18: {  	[sflag:s11] =	ssyncset.done $0x0  }
0x19: {  	[sflag:s11] =	ssyncadd.s32 $0xFFFFFFE0  }
0x1a: {  	[tilespmem:s12], [sflag:$0x6] =	stream.linear.gather [hbm4b:s8+s2], $0x20, $0x38;
	[tilespmem:$0x7140] =	vst v63  }
0x1b: {  	_ =	swait.ge [sflag:s11], $0x20  }
0x1c: {  	[sflag:s11] =	ssyncset.done $0x0  }
0x1d: {  	[sflag:s11] =	ssyncadd.s32 $0xFFFFFFE0  }
0x1e: {  	[tilespmem:s13], [sflag:$0x5] =	stream.linear.gather [hbm4b:s9+s2], $0x2000, $0x38;
	[tilespmem:$0x7140] =	vst v63  }
0x1f: {  	s0 =	simm.s32 $0x40  }
0x20: {  	[tilespmem:s0], [sflag:$0x5] =	stream.indirect.gather [hbm4b:s3+s12], $0x40, s2, s12, $0xb8;
	[tilespmem:$0x7140] =	vst v63  }
0x21: {  	s31 =	simm.s32 $0x840  }
0x22: {  	[tilespmem:s31], [sflag:$0x5] =	stream.indirect.gather [hbm4b:s4+s12], $0x40, s12, s12, $0xb8;
	[tilespmem:$0x7140] =	vst v63  }
0x23: {  	_ =	swait.ge [sflag:s16], $0x2000  }
0x24: {  	[sflag:s16] =	ssyncset.done $0x0  }
0x25: {  	[sflag:s16] =	ssyncadd.s32 $0xFFFFE000  }
0x26: {  	_ =	swait.ge [sflag:s16], $0x800  }
0x27: {  	[sflag:s16] =	ssyncset.done $0x0  }
0x28: {  	[sflag:s16] =	ssyncadd.s32 $0xFFFFF800  }
0x29: {  	_ =	swait.ge [sflag:s16], $0x800  }
0x2a: {  	[sflag:s16] =	ssyncset.done $0x0  }
0x2b: {  	s0 =	simm.s32 $0x0;
	[sflag:s16] =	ssyncadd.s32 $0xFFFFF800  }
0x2c: {  	v5 =	vld [tilespmem:s0+$0x840]  }
0x2d: {  	v6 =	vld [tilespmem:s0+$0x850]  }
0x2e: {  	v1 =	vld [tilespmem:s0+$0x860]  }
0x2f: {  	v0 =	vld [tilespmem:s0+$0x870]  }
0x30: {  	v2 =	vld [tilespmem:s0+$0x40]  }
0x31: {  	v4 =	vld [tilespmem:s0+$0x50]  }
0x32: {  	s1 =	simm.s32 $0x100;
	v3 =	vld [tilespmem:s0+$0x60]  }
.LBB2_2:
0x33: {  	s14 =	sshra.s32 s1, $0x2;
	p0 =	sne.s32 s1, $0x1F00;
	v7 =	vld [tilespmem:s0+$0x70];
	v8 =	vmov v1  }
0x34: {  	v9 =	vld [tilespmem:s14+$0x840];
	v10 =	vmov v0  }
0x35: {  	v11 =	vld [tilespmem:s14+$0x850];
	v2 =	vadd.f32 v5, v2  }
.Ltmp2:
0x36: {  	v1 =	vld [tilespmem:s14+$0x860];
	v4 =	vadd.f32 v6, v4;
	(pc) =	sbr.rel @p0 .LBB2_2-.Ltmp2, $4  }
0x37: {  	v0 =	vld [tilespmem:s14+$0x870];
	[tilespmem:s0+$0x40] =	vst v2;
	v3 =	vadd.f32 v8, v3  }
0x38: {  	v2 =	vld [tilespmem:s14+$0x40];
	[tilespmem:s0+$0x50] =	vst v4;
	v7 =	vadd.f32 v10, v7  }
0x39: {  	v4 =	vld [tilespmem:s14+$0x50];
	[tilespmem:s0+$0x60] =	vst v3;
	v5 =	vmov v9  }
0x3a: {  	s1 =	sadd.s32 $0x100, s1;
	v3 =	vld [tilespmem:s14+$0x60];
	[tilespmem:s0+$0x70] =	vst v7;
	v6 =	vmov v11;
	s0 =	smov.u32 s14  }
0x3b: {  	v7 =	vld [tilespmem:s0+$0x70];
	_ =	sdelay $0x1  }
0x3c: {  	v2 =	vadd.f32 v5, v2  }
0x3d: {  	v4 =	vadd.f32 v6, v4  }
0x3e: {  	[tilespmem:s0+$0x40] =	vst v2;
	v1 =	vadd.f32 v1, v3  }
0x3f: {  	[tilespmem:s0+$0x50] =	vst v4;
	v0 =	vadd.f32 v0, v7  }
0x40: {  	[tilespmem:s0+$0x60] =	vst v1  }
0x41: {  	s30 =	simm.s32 $0x3040;
	[tilespmem:s0+$0x70] =	vst v0  }
0x42: {  	[tilespmem:s30], [sflag:$0x1] =	stream.indirect.gather [hbm4b:s3+s17], $0x40, s13, s17, $0xb8;
	[tilespmem:$0x7140] =	vst v63  }
0x43: {  	s31 =	simm.s32 $0x10C0;
	s29 =	simm.s32 $0x0  }
0x44: {  	[tilespmem:s20], [sflag:$0x2] =	stream.indirect.gather [hbm4b:s3+s17], $0x40, s31, s17, $0xb8;
	[tilespmem:$0x7140] =	vst v63  }
.LBB2_4:
0x45: {  	_ =	swait.ge [sflag:s21], $0x2000  }
0x46: {  	p0 =	seq.s32 s29, $0x0;
	[sflag:s21] =	ssyncset.done $0x0  }
0x47: {  	s0 =	simm.s32 @!p0 $0x3;
	[sflag:s21] =	ssyncadd.s32 $0xFFFFE000  }
0x48: {  	_ =	swait.ge @!p0 [sflag:s0], $0x80  }
0x49: {  	s1 =	sshll.u32 s29, $0x6;
	[sflag:s0] =	ssyncset.done @!p0 $0x0  }
0x4a: {  	s30 =	sand.u32 $0x3FFFFFC0, s1;
	[sflag:s0] =	ssyncadd.s32 @!p0 $0xFFFFFF80  }
0x4b: {  	v3 =	vld [tilespmem:s30+$0x40]  }
0x4c: {  	v1 =	vld [tilespmem:s30+$0x50]  }
0x4d: {  	v2 =	vld [tilespmem:s30+$0x60]  }
0x4e: {  	s0 =	simm.s32 $0x3240;
	v0 =	vld [tilespmem:s30+$0x70]  }
0x4f: {  	v4 =	vld [tilespmem:s0+$0x1A0]  }
0x50: {  	v5 =	vld [tilespmem:s0+$0x170]  }
0x51: {  	v7 =	vld [tilespmem:s0+$0x140]  }
0x52: {  	v8 =	vld [tilespmem:s0+$0x150]  }
0x53: {  	v9 =	vld [tilespmem:s0+$0x100]  }
0x54: {  	v10 =	vld [tilespmem:s0+$0x110]  }
0x55: {  	v11 =	vld [tilespmem:s0+$0x160]  }
0x56: {  	v12 =	vld [tilespmem:s0+$0x120]  }
0x57: {  	v6 =	vld [tilespmem:s0+$0x180]  }
0x58: {  	v13 =	vld [tilespmem:s0+$0x130];
	v7 =	vsub.f32 v3, v7  }
0x59: {  	v15 =	vld [tilespmem:s0+$0xB0];
	v9 =	vsub.f32 v3, v9;
	v10 =	vsub.f32 v1, v10  }
0x5a: {  	v19 =	vld [tilespmem:s0+$0x60];
	v8 =	vsub.f32 v1, v8;
	v11 =	vsub.f32 v2, v11  }
0x5b: {  	v17 =	vld [tilespmem:s0+$0x80];
	v12 =	vsub.f32 v2, v12;
	v9 =	vand.u32 $0x7FFFFFFF, v9;
	v10 =	vand.u32 $0x7FFFFFFF, v10  }
0x5c: {  	v18 =	vld [tilespmem:s0+$0x90];
	v7 =	vand.u32 $0x7FFFFFFF, v7;
	v8 =	vand.u32 $0x7FFFFFFF, v8;
	v9 =	vadd.f32 v10, v9  }
0x5d: {  	v7 =	vadd.f32 v8, v7;
	v8 =	vld [tilespmem:s0+$0x40];
	v10 =	vand.u32 $0x7FFFFFFF, v12;
	v12 =	vsub.f32 v0, v13  }
0x5e: {  	v5 =	vsub.f32 v0, v5;
	v11 =	vand.u32 $0x7FFFFFFF, v11;
	v13 =	vld [tilespmem:s0+$0x50];
	v9 =	vadd.f32 v10, v9  }
0x5f: {  	v14 =	vld [tilespmem:s0+$0xE0];
	v19 =	vsub.f32 v2, v19;
	v7 =	vadd.f32 v11, v7;
	v11 =	vand.u32 $0x7FFFFFFF, v12  }
0x60: {  	v10 =	vld [tilespmem:s0+$0xA0];
	v12 =	vand.u32 $0x7FFFFFFF, v5;
	v5 =	vsub.f32 v3, v6;
	v9 =	vadd.f32 v11, v9  }
0x61: {  	v16 =	vld [tilespmem:s0+$0xC0];
	v11 =	vadd.f32 v12, v7;
	v12 =	vsub.f32 v0, v15  }
0x62: {  	v7 =	vld [tilespmem:s0+$0x70];
	v15 =	vsub.f32 v3, v17;
	v17 =	vsub.f32 v1, v18  }
0x63: {  	v21 =	vld [tilespmem:s0+$0xFFFFFFC0];
	v8 =	vsub.f32 v3, v8;
	v13 =	vsub.f32 v1, v13  }
0x64: {  	v22 =	vld [tilespmem:s0+$0xFFFFFFD0];
	v6 =	vsub.f32 v2, v14;
	v15 =	vand.u32 $0x7FFFFFFF, v15;
	v17 =	vand.u32 $0x7FFFFFFF, v17  }
0x65: {  	v14 =	vld [tilespmem:s0+$0x20];
	v10 =	vsub.f32 v2, v10;
	v8 =	vand.u32 $0x7FFFFFFF, v8;
	v13 =	vand.u32 $0x7FFFFFFF, v13  }
0x66: {  	v18 =	vld [tilespmem:s0+$0xFFFFFFF0];
	v8 =	vadd.f32 v13, v8;
	v13 =	vadd.f32 v17, v15  }
0x67: {  	v15 =	vld [tilespmem:s0+$0xFFFFFF80];
	v17 =	vand.u32 $0x7FFFFFFF, v19;
	v7 =	vsub.f32 v0, v7;
	v10 =	vand.u32 $0x7FFFFFFF, v10  }
0x68: {  	v19 =	vld [tilespmem:s0+$0xFFFFFF90];
	v8 =	vadd.f32 v17, v8;
	v10 =	vadd.f32 v10, v13  }
0x69: {  	v12 =	vand.u32 $0x7FFFFFFF, v12;
	v13 =	vld [tilespmem:s0+$0xFFFFFFE0];
	v17 =	vand.u32 $0x7FFFFFFF, v7;
	v7 =	vsub.f32 v3, v16  }
0x6a: {  	v16 =	vld [tilespmem:s0+$0xFFFFFFA0];
	v23 =	vadd.f32 v17, v8;
	v10 =	vadd.f32 v12, v10  }
0x6b: {  	v20 =	vld [tilespmem:s0+$0x0];
	v17 =	vsub.f32 v0, v18;
	v18 =	vsub.f32 v3, v21  }
0x6c: {  	v12 =	vld [tilespmem:s0+$0xFFFFFFB0];
	v21 =	vsub.f32 v1, v22;
	v15 =	vsub.f32 v3, v15  }
0x6d: {  	v25 =	vld [tilespmem:s0+$0xFFFFFF00];
	v8 =	vsub.f32 v2, v14;
	v19 =	vsub.f32 v1, v19;
	v18 =	vand.u32 $0x7FFFFFFF, v18  }
0x6e: {  	v26 =	vld [tilespmem:s0+$0xFFFFFF10];
	v21 =	vand.u32 $0x7FFFFFFF, v21;
	v13 =	vsub.f32 v2, v13;
	v15 =	vand.u32 $0x7FFFFFFF, v15  }
0x6f: {  	v14 =	vld [tilespmem:s0+$0xFFFFFF60];
	v19 =	vand.u32 $0x7FFFFFFF, v19;
	v18 =	vadd.f32 v21, v18;
	v16 =	vsub.f32 v2, v16  }
0x70: {  	v21 =	vld [tilespmem:s0+$0xFFFFFED0];
	v15 =	vadd.f32 v19, v15;
	v13 =	vand.u32 $0x7FFFFFFF, v13  }
0x71: {  	(xrf2) =	vadd.scan.msk.f32 $0xffff, v11;
	v19 =	vld [tilespmem:s0+$0xFFFFFEC0];
	v12 =	vsub.f32 v0, v12;
	v16 =	vand.u32 $0x7FFFFFFF, v16;
	v13 =	vadd.f32 v13, v18  }
0x72: {  	(xrf2) =	vadd.scan.msk.f32 $0xffff, v9;
	v9 =	vsub.f32 v3, v25;
	v17 =	vand.u32 $0x7FFFFFFF, v17;
	v15 =	vadd.f32 v16, v15;
	v16 =	vld [tilespmem:s0+$0xFFFFFF20]  }
0x73: {  	v18 =	vand.u32 $0x7FFFFFFF, v12;
	v12 =	vsub.f32 v3, v20;
	v20 =	vld [tilespmem:s0+$0xFFFFFEE0];
	v27 =	vadd.f32 v17, v13  }
0x74: {  	v11 =	vld [tilespmem:s0+$0xFFFFFEF0];
	v13 =	vsub.f32 v2, v14;
	v14 =	vsub.f32 v1, v26  }
0x75: {  	v24 =	vld [tilespmem:s0+$0xFFFFFF40];
	v9 =	vand.u32 $0x7FFFFFFF, v9  }
0x76: {  	v22 =	vld [tilespmem:s0+$0xFFFFFF30];
	(xrf2) =	vadd.scan.msk.f32 $0xffff, v10;
	v17 =	vsub.f32 v3, v19;
	v19 =	vsub.f32 v1, v21;
	v10 =	vand.u32 $0x7FFFFFFF, v14  }
0x77: {  	v28 =	vld [tilespmem:s0+$0xFFFFFEA0];
	v9 =	vadd.f32 v10, v9;
	v14 =	vsub.f32 v2, v16  }
0x78: {  	v29 =	vld [tilespmem:s0+$0xFFFFFE80];
	v16 =	vand.u32 $0x7FFFFFFF, v17;
	v17 =	vand.u32 $0x7FFFFFFF, v19;
	v19 =	vsub.f32 v2, v20  }
0x79: {  	v11 =	vsub.f32 v0, v11;
	v20 =	vld [tilespmem:s0+$0xFFFFFE40];
	v16 =	vadd.f32 v17, v16;
	v14 =	vand.u32 $0x7FFFFFFF, v14  }
0x7a: {  	v30 =	vld [tilespmem:s0+$0xFFFFFE60];
	v18 =	vadd.f32 v18, v15;
	v10 =	vand.u32 $0x7FFFFFFF, v19;
	v9 =	vadd.f32 v14, v9  }
0x7b: {  	v25 =	vld [tilespmem:s0+$0xFFFFFE70];
	(xrf2) =	vadd.scan.msk.f32 $0xffff, v23;
	v15 =	vsub.f32 v0, v22;
	v10 =	vadd.f32 v10, v16  }
0x7c: {  	v11 =	vand.u32 $0x7FFFFFFF, v11;
	v26 =	vld [tilespmem:s0+$0xFFFFFE50]  }
0x7d: {  	v21 =	vld [tilespmem:s0+$0xFFFFFE10];
	v15 =	vand.u32 $0x7FFFFFFF, v15;
	v17 =	vadd.f32 v11, v10  }
0x7e: {  	v19 =	vld [tilespmem:s0+$0xFFFFFE00];
	v15 =	vadd.f32 v15, v9;
	v11 =	vsub.f32 v3, v20;
	v9, _, _ =	vpop (xrf2);
	(xrf2) =	vadd.scan.msk.f32 $0xffff, v27  }
0x7f: {  	v14 =	vsub.f32 v3, v24;
	v24 =	vld [tilespmem:s0+$0xFFFFFE30]  }
0x80: {  	v4 =	vsub.f32 v2, v4;
	v23 =	vsub.f32 v0, v25;
	v22 =	vld [tilespmem:s0+$0xFFFFFE20]  }
0x81: {  	v25 =	vld [tilespmem:s0+$0x1D0];
	v26 =	vsub.f32 v1, v26;
	v16 =	vsub.f32 v2, v28;
	v10, _, _ =	vpop (xrf2);
	(xrf2) =	vadd.scan.msk.f32 $0xffff, v18  }
0x82: {  	s31 =	sshll.u32 s29, $0x1;
	s14 =	simm.s32 $0x40;
	s1 =	simm.s32 $0x0;
	v28 =	vsub.f32 v2, v30;
	v20 =	vld [tilespmem:s0+$0x1C0];
	v27 =	vand.u32 $0x7FFFFFFF, v11;
	v18 =	vsub.f32 v3, v29;
	v11, _, _ =	vpop (xrf2)  }
.LBB2_5:
0x83: {  	p1 =	sne.s32 s14, $0x1C0;
	v19 =	vsub.f32 v3, v19;
	v21 =	vsub.f32 v1, v21;
	v26 =	vand.u32 $0x7FFFFFFF, v26  }
0x84: {  	v24 =	vsub.f32 v0, v24;
	v26 =	vadd.f32 v26, v27;
	v27 =	vand.u32 $0x7FFFFFFF, v28;
	v28 =	vld [tilespmem:s0+$0x1E0];
	(xrf2) =	vadd.scan.msk.f32 $0xffff, v15  }
0x85: {  	v19 =	vand.u32 $0x7FFFFFFF, v19;
	v21 =	vand.u32 $0x7FFFFFFF, v21;
	v30 =	vsub.f32 v2, v22;
	v29 =	vld [tilespmem:s0+$0xFFFFFE90];
	v15, _, _ =	vpop (xrf2)  }
0x86: {  	v23 =	vand.u32 $0x7FFFFFFF, v23;
	v19 =	vadd.f32 v21, v19;
	v21 =	vadd.f32 v27, v26;
	v26 =	vld [tilespmem:s0+$0x1F0]  }
0x87: {  	v20 =	vsub.f32 v3, v20;
	v27 =	vand.u32 $0x7FFFFFFF, v30;
	v25 =	vsub.f32 v1, v25;
	(xrf2) =	vadd.scan.msk.f32 $0xffff, v17  }
0x88: {  	v17 =	vadd.f32 v27, v19;
	v19 =	vadd.f32 v23, v21;
	v21 =	vld [tilespmem:s0+$0xFFFFFF50];
	v22, _, _ =	vpop (xrf2)  }
0x89: {  	v20 =	vand.u32 $0x7FFFFFFF, v20;
	v23 =	vld [tilespmem:s0+$0xFFFFFEB0];
	v25 =	vand.u32 $0x7FFFFFFF, v25;
	v27 =	vsub.f32 v2, v28  }
0x8a: {  	v24 =	vand.u32 $0x7FFFFFFF, v24;
	v28 =	vsub.f32 v1, v29;
	v20 =	vadd.f32 v25, v20;
	(xrf2) =	vadd.scan.msk.f32 $0xffff, v19  }
0x8b: {  	v17 =	vadd.f32 v24, v17;
	v19 =	vld [tilespmem:s0+$0x10];
	v24 =	vand.u32 $0x7FFFFFFF, v27;
	v25 =	vsub.f32 v0, v26;
	v26, _, _ =	vpop (xrf2)  }
0x8c: {  	v18 =	vand.u32 $0x7FFFFFFF, v18;
	v27 =	vand.u32 $0x7FFFFFFF, v28;
	v28 =	vld [tilespmem:s0+$0xFFFFFF70];
	v20 =	vadd.f32 v24, v20  }
0x8d: {  	v18 =	vadd.f32 v27, v18;
	v21 =	vsub.f32 v1, v21;
	v25 =	vand.u32 $0x7FFFFFFF, v25;
	(xrf2) =	vadd.scan.msk.f32 $0xffff, v17  }
0x8e: {  	v16 =	vand.u32 $0x7FFFFFFF, v16;
	v17 =	vsub.f32 v0, v23;
	v23 =	vld [tilespmem:s0+$0xD0];
	v25 =	vadd.f32 v25, v20;
	v24, _, _ =	vpop (xrf2)  }
0x8f: {  	v14 =	vand.u32 $0x7FFFFFFF, v14;
	v16 =	vadd.f32 v16, v18;
	v18 =	vand.u32 $0x7FFFFFFF, v21;
	v21 =	vld [tilespmem:s0+$0x30]  }
0x90: {  	v17 =	vand.u32 $0x7FFFFFFF, v17;
	v14 =	vadd.f32 v18, v14;
	v18 =	vsub.f32 v1, v19;
	(xrf2) =	vadd.scan.msk.f32 $0xffff, v25  }
0x91: {  	v13 =	vand.u32 $0x7FFFFFFF, v13;
	v16 =	vadd.f32 v17, v16;
	v27 =	vsub.f32 v0, v28;
	v19 =	vld [tilespmem:s0+$0x190];
	v20, _, _ =	vpop (xrf2)  }
0x92: {  	v12 =	vand.u32 $0x7FFFFFFF, v12;
	v13 =	vadd.f32 v13, v14;
	v14 =	vand.u32 $0x7FFFFFFF, v18;
	v18 =	vld [tilespmem:s0+$0xF0]  }
0x93: {  	v25 =	vand.u32 $0x7FFFFFFF, v27;
	v12 =	vadd.f32 v14, v12;
	v14 =	vsub.f32 v1, v23;
	(xrf2) =	vadd.scan.msk.f32 $0xffff, v16  }
0x94: {  	v8 =	vand.u32 $0x7FFFFFFF, v8;
	v13 =	vadd.f32 v25, v13;
	v23 =	vsub.f32 v0, v21;
	v17, _, _ =	vpop (xrf2)  }
0x95: {  	v7 =	vand.u32 $0x7FFFFFFF, v7;
	v8 =	vadd.f32 v8, v12;
	v12 =	vand.u32 $0x7FFFFFFF, v14;
	v14 =	vld [tilespmem:s0+$0x1B0]  }
0x96: {  	v21 =	vand.u32 $0x7FFFFFFF, v23;
	v7 =	vadd.f32 v12, v7;
	v12 =	vsub.f32 v1, v19;
	(xrf2) =	vadd.scan.msk.f32 $0xffff, v13  }
0x97: {  	v6 =	vand.u32 $0x7FFFFFFF, v6;
	v19 =	vadd.f32 v21, v8;
	v13 =	vsub.f32 v0, v18;
	v16, _, _ =	vpop (xrf2)  }
0x98: {  	v5 =	vand.u32 $0x7FFFFFFF, v5;
	v6 =	vadd.f32 v6, v7;
	v7 =	vand.u32 $0x7FFFFFFF, v12  }
0x99: {  	v12 =	vand.u32 $0x7FFFFFFF, v13;
	v5 =	vadd.f32 v7, v5;
	(xrf2) =	vadd.scan.msk.f32 $0xffff, v19  }
0x9a: {  	v4 =	vand.u32 $0x7FFFFFFF, v4;
	v6 =	vadd.f32 v12, v6;
	v7 =	vsub.f32 v0, v14;
	v8, _, _ =	vpop (xrf2)  }
0x9b: {  	v4 =	vadd.f32 v4, v5;
	(v2sf) =	vpush v8, $0xF  }
0x9c: {  	v7 =	vand.u32 $0x7FFFFFFF, v7;
	(v2sf) =	vpush v16, $0xF;
	(xrf2) =	vadd.scan.msk.f32 $0xffff, v6  }
0x9d: {  	v6 =	vadd.f32 v7, v4;
	(v2sf) =	vpush v17, $0xF;
	v5, _, _ =	vpop (xrf2)  }
0x9e: {  	(v2sf) =	vpush v5, $0xF  }
0x9f: {  	(v2sf) =	vpush v20, $0xF;
	(xrf2) =	vadd.scan.msk.f32 $0xffff, v6  }
0xa0: {  	(v2sf) =	vpush v24, $0xF;
	v4, _, _ =	vpop (xrf2)  }
0xa1: {  	(v2sf) =	vpush v4, $0xF  }
0xa2: {  	(v2sf) =	vpush v26, $0xF  }
0xa3: {  	(v2sf) =	vpush v22, $0xF;
	v4, _, _ =	vpop (xrf2)  }
0xa4: {  	(v2sf) =	vpush v4, $0xF  }
0xa5: {  	(v2sf) =	vpush v15, $0xF  }
0xa6: {  	(v2sf) =	vpush v11, $0xF;
	v4, _, _ =	vpop (xrf2)  }
0xa7: {  	(v2sf) =	vpush v4, $0xF  }
0xa8: {  	(v2sf) =	vpush v10, $0xF  }
0xa9: {  	(v2sf) =	vpush v9, $0xF;
	v4, _, _ =	vpop (xrf2)  }
0xaa: {  	(v2sf) =	vpush v4, $0xF;
	s15 =	spop (v2sf)  }
0xab: {  	s15 =	ssub.f32 $1.200000000e+01, s15;
	s18 =	spop (v2sf)  }
0xac: {  	s18 =	ssub.f32 $1.200000000e+01, s18;
	s19 =	spop (v2sf)  }
0xad: {  	s19 =	ssub.f32 $1.200000000e+01, s19;
	v4 =	vmov s15;
	s15 =	spop (v2sf)  }
0xae: {  	s15 =	ssub.f32 $1.200000000e+01, s15;
	v4 =	vsel vm0, s18, v4;
	s18 =	spop (v2sf)  }
0xaf: {  	s18 =	ssub.f32 $1.200000000e+01, s18;
	v4 =	vsel vm1, s19, v4;
	s19 =	spop (v2sf)  }
0xb0: {  	s19 =	ssub.f32 $1.200000000e+01, s19;
	v4 =	vsel vm2, s15, v4;
	s15 =	spop (v2sf)  }
0xb1: {  	s15 =	ssub.f32 $1.200000000e+01, s15;
	v4 =	vsel vm3, s18, v4;
	s18 =	spop (v2sf)  }
0xb2: {  	s18 =	ssub.f32 $1.200000000e+01, s18;
	v4 =	vsel vm4, s19, v4;
	s19 =	spop (v2sf)  }
0xb3: {  	s19 =	ssub.f32 $1.200000000e+01, s19;
	v4 =	vsel vm5, s15, v4;
	s15 =	spop (v2sf)  }
0xb4: {  	s15 =	ssub.f32 $1.200000000e+01, s15;
	v4 =	vsel vm6, s18, v4;
	s18 =	spop (v2sf)  }
0xb5: {  	s18 =	ssub.f32 $1.200000000e+01, s18;
	v4 =	vsel vm7, s19, v4;
	s19 =	spop (v2sf)  }
0xb6: {  	s19 =	ssub.f32 $1.200000000e+01, s19;
	v4 =	vsel vm8, s15, v4;
	s15 =	spop (v2sf)  }
0xb7: {  	s15 =	ssub.f32 $1.200000000e+01, s15;
	v4 =	vsel vm9, s18, v4;
	s18 =	spop (v2sf)  }
0xb8: {  	s18 =	ssub.f32 $1.200000000e+01, s18;
	v4 =	vsel vm10, s19, v4;
	s19 =	spop (v2sf)  }
0xb9: {  	s19 =	ssub.f32 $1.200000000e+01, s19;
	v4 =	vsel vm11, s15, v4;
	s15 =	spop (v2sf)  }
0xba: {  	s15 =	ssub.f32 $1.200000000e+01, s15;
	v4 =	vsel vm12, s18, v4  }
0xbb: {  	v4 =	vsel vm13, s19, v4  }
0xbc: {  	v4 =	vsel vm14, s15, v4;
	s15 =	sshra.s32 s1, $0x2;
	s1 =	smov.u32 s14  }
0xbd: {  	s0 =	sadd.s32 $0x400, s0;
	[tilespmem:s15+$0x7040] =	vst v4  }
0xbe: {  	v4 =	vld [tilespmem:s0+$0x1A0]  }
0xbf: {  	v5 =	vld [tilespmem:s0+$0x170]  }
0xc0: {  	v6 =	vld [tilespmem:s0+$0x180]  }
0xc1: {  	v7 =	vld [tilespmem:s0+$0x140]  }
0xc2: {  	v8 =	vld [tilespmem:s0+$0x150]  }
0xc3: {  	v9 =	vld [tilespmem:s0+$0x100]  }
0xc4: {  	v10 =	vld [tilespmem:s0+$0x110]  }
0xc5: {  	v11 =	vld [tilespmem:s0+$0x160]  }
0xc6: {  	v12 =	vld [tilespmem:s0+$0x120]  }
0xc7: {  	v4 =	vsub.f32 v2, v4;
	v5 =	vsub.f32 v0, v5;
	v13 =	vld [tilespmem:s0+$0x130]  }
0xc8: {  	v7 =	vsub.f32 v3, v7;
	v8 =	vsub.f32 v1, v8;
	v14 =	vld [tilespmem:s0+$0xE0]  }
0xc9: {  	v9 =	vsub.f32 v3, v9;
	v15 =	vld [tilespmem:s0+$0xB0];
	v10 =	vsub.f32 v1, v10  }
0xca: {  	v7 =	vand.u32 $0x7FFFFFFF, v7;
	v8 =	vand.u32 $0x7FFFFFFF, v8;
	v16 =	vld [tilespmem:s0+$0xC0];
	v11 =	vsub.f32 v2, v11  }
0xcb: {  	v9 =	vand.u32 $0x7FFFFFFF, v9;
	v17 =	vld [tilespmem:s0+$0x80];
	v10 =	vand.u32 $0x7FFFFFFF, v10;
	v12 =	vsub.f32 v2, v12  }
0xcc: {  	v7 =	vadd.f32 v8, v7;
	v18 =	vld [tilespmem:s0+$0x90];
	v9 =	vadd.f32 v10, v9  }
0xcd: {  	v11 =	vand.u32 $0x7FFFFFFF, v11;
	v8 =	vld [tilespmem:s0+$0x40];
	v10 =	vand.u32 $0x7FFFFFFF, v12;
	v12 =	vsub.f32 v0, v13  }
0xce: {  	v7 =	vadd.f32 v11, v7;
	v13 =	vld [tilespmem:s0+$0x50];
	v9 =	vadd.f32 v10, v9  }
0xcf: {  	v10 =	vld [tilespmem:s0+$0xA0];
	v11 =	vand.u32 $0x7FFFFFFF, v12;
	v12 =	vand.u32 $0x7FFFFFFF, v5;
	v5 =	vsub.f32 v3, v6  }
0xd0: {  	v19 =	vld [tilespmem:s0+$0x60];
	v9 =	vadd.f32 v11, v9;
	v11 =	vadd.f32 v12, v7  }
0xd1: {  	v6 =	vsub.f32 v2, v14;
	v12 =	vsub.f32 v0, v15;
	v7 =	vld [tilespmem:s0+$0x70]  }
0xd2: {  	v15 =	vsub.f32 v3, v17;
	v17 =	vsub.f32 v1, v18;
	v14 =	vld [tilespmem:s0+$0x20]  }
0xd3: {  	v8 =	vsub.f32 v3, v8;
	v18 =	vld [tilespmem:s0+$0xFFFFFFF0];
	v13 =	vsub.f32 v1, v13  }
0xd4: {  	v15 =	vand.u32 $0x7FFFFFFF, v15;
	v17 =	vand.u32 $0x7FFFFFFF, v17;
	v20 =	vld [tilespmem:s0+$0x0];
	v10 =	vsub.f32 v2, v10  }
0xd5: {  	v8 =	vand.u32 $0x7FFFFFFF, v8;
	v21 =	vld [tilespmem:s0+$0xFFFFFFC0];
	v13 =	vand.u32 $0x7FFFFFFF, v13;
	v19 =	vsub.f32 v2, v19  }
0xd6: {  	v22 =	vld [tilespmem:s0+$0xFFFFFFD0];
	v8 =	vadd.f32 v13, v8;
	v13 =	vadd.f32 v17, v15  }
0xd7: {  	v7 =	vsub.f32 v0, v7;
	v10 =	vand.u32 $0x7FFFFFFF, v10;
	v15 =	vld [tilespmem:s0+$0xFFFFFF80];
	v17 =	vand.u32 $0x7FFFFFFF, v19  }
0xd8: {  	v19 =	vld [tilespmem:s0+$0xFFFFFF90];
	v8 =	vadd.f32 v17, v8;
	v10 =	vadd.f32 v10, v13  }
0xd9: {  	v12 =	vand.u32 $0x7FFFFFFF, v12;
	v17 =	vand.u32 $0x7FFFFFFF, v7;
	v7 =	vsub.f32 v3, v16;
	v13 =	vld [tilespmem:s0+$0xFFFFFFE0]  }
0xda: {  	v16 =	vld [tilespmem:s0+$0xFFFFFFA0];
	v17 =	vadd.f32 v17, v8;
	v10 =	vadd.f32 v12, v10  }
0xdb: {  	v18 =	vsub.f32 v0, v18;
	v8 =	vsub.f32 v2, v14;
	v12 =	vld [tilespmem:s0+$0xFFFFFFB0]  }
0xdc: {  	v21 =	vsub.f32 v3, v21;
	v22 =	vsub.f32 v1, v22;
	v14 =	vld [tilespmem:s0+$0xFFFFFF60]  }
0xdd: {  	v15 =	vsub.f32 v3, v15;
	v23 =	vld [tilespmem:s0+$0xFFFFFF30];
	v19 =	vsub.f32 v1, v19  }
0xde: {  	v21 =	vand.u32 $0x7FFFFFFF, v21;
	v22 =	vand.u32 $0x7FFFFFFF, v22;
	v24 =	vld [tilespmem:s0+$0xFFFFFF40];
	v13 =	vsub.f32 v2, v13  }
0xdf: {  	v15 =	vand.u32 $0x7FFFFFFF, v15;
	v25 =	vld [tilespmem:s0+$0xFFFFFF00];
	v19 =	vand.u32 $0x7FFFFFFF, v19;
	v16 =	vsub.f32 v2, v16  }
0xe0: {  	v26 =	vld [tilespmem:s0+$0xFFFFFF10];
	v15 =	vadd.f32 v19, v15;
	v19 =	vadd.f32 v22, v21  }
0xe1: {  	v12 =	vsub.f32 v0, v12;
	v13 =	vand.u32 $0x7FFFFFFF, v13;
	v21 =	vld [tilespmem:s0+$0xFFFFFEC0];
	v16 =	vand.u32 $0x7FFFFFFF, v16;
	(xrf2) =	vadd.scan.msk.f32 $0xffff, v11  }
0xe2: {  	v11 =	vld [tilespmem:s0+$0xFFFFFED0];
	v15 =	vadd.f32 v16, v15;
	v13 =	vadd.f32 v13, v19  }
0xe3: {  	v18 =	vand.u32 $0x7FFFFFFF, v18;
	v19 =	vand.u32 $0x7FFFFFFF, v12;
	v12 =	vsub.f32 v3, v20;
	v16 =	vld [tilespmem:s0+$0xFFFFFF20]  }
0xe4: {  	v20 =	vld [tilespmem:s0+$0xFFFFFEE0];
	v27 =	vadd.f32 v19, v15;
	v15 =	vadd.f32 v18, v13;
	(xrf2) =	vadd.scan.msk.f32 $0xffff, v9  }
0xe5: {  	v18 =	vsub.f32 v0, v23;
	v13 =	vsub.f32 v2, v14;
	v9 =	vld [tilespmem:s0+$0xFFFFFEF0]  }
0xe6: {  	v14 =	vsub.f32 v3, v25;
	v19 =	vsub.f32 v1, v26;
	v23 =	vld [tilespmem:s0+$0xFFFFFEA0]  }
0xe7: {  	v21 =	vsub.f32 v3, v21;
	v25 =	vld [tilespmem:s0+$0xFFFFFE70];
	v11 =	vsub.f32 v1, v11;
	(xrf2) =	vadd.scan.msk.f32 $0xffff, v10  }
0xe8: {  	v10 =	vand.u32 $0x7FFFFFFF, v14;
	v14 =	vand.u32 $0x7FFFFFFF, v19;
	v29 =	vld [tilespmem:s0+$0xFFFFFE80];
	v16 =	vsub.f32 v2, v16  }
0xe9: {  	v19 =	vand.u32 $0x7FFFFFFF, v21;
	v28 =	vld [tilespmem:s0+$0xFFFFFE60];
	v11 =	vand.u32 $0x7FFFFFFF, v11;
	v20 =	vsub.f32 v2, v20  }
0xea: {  	v10 =	vadd.f32 v14, v10;
	v26 =	vld [tilespmem:s0+$0xFFFFFE40];
	v11 =	vadd.f32 v11, v19;
	(xrf2) =	vadd.scan.msk.f32 $0xffff, v17  }
0xeb: {  	v17 =	vsub.f32 v0, v9;
	v16 =	vand.u32 $0x7FFFFFFF, v16;
	v30 =	vld [tilespmem:s0+$0xFFFFFE50];
	v14 =	vand.u32 $0x7FFFFFFF, v20;
	v9, _, _ =	vpop (xrf2)  }
0xec: {  	v20 =	vadd.f32 v16, v10;
	v19 =	vld [tilespmem:s0+$0xFFFFFE00];
	v11 =	vadd.f32 v14, v11  }
.Ltmp3:
0xed: {  	v18 =	vand.u32 $0x7FFFFFFF, v18;
	v16 =	vand.u32 $0x7FFFFFFF, v17;
	v14 =	vsub.f32 v3, v24;
	v21 =	vld [tilespmem:s0+$0xFFFFFE10];
	(xrf2) =	vadd.scan.msk.f32 $0xffff, v15;
	(pc) =	sbr.rel @p1 .LBB2_5-.Ltmp3, $4  }
0xee: {  	v15 =	vadd.f32 v18, v20;
	v24 =	vld [tilespmem:s0+$0xFFFFFE30];
	v17 =	vadd.f32 v16, v11;
	v10, _, _ =	vpop (xrf2)  }
0xef: {  	v16 =	vsub.f32 v2, v23;
	v22 =	vld [tilespmem:s0+$0xFFFFFE20];
	v31 =	vsub.f32 v3, v26  }
0xf0: {  	v23 =	vsub.f32 v0, v25;
	v26 =	vsub.f32 v1, v30;
	v20 =	vld [tilespmem:s0+$0x1C0];
	(xrf2) =	vadd.scan.msk.f32 $0xffff, v27  }
0xf1: {  	s14 =	sadd.s32 $0x40, s14;
	v18 =	vsub.f32 v3, v29;
	v28 =	vsub.f32 v2, v28;
	v27 =	vand.u32 $0x7FFFFFFF, v31;
	v25 =	vld [tilespmem:s0+$0x1D0];
	v11, _, _ =	vpop (xrf2)  }
0xf2: {  	v19 =	vsub.f32 v3, v19;
	v21 =	vsub.f32 v1, v21;
	v26 =	vand.u32 $0x7FFFFFFF, v26  }
0xf3: {  	v24 =	vsub.f32 v0, v24;
	v26 =	vadd.f32 v26, v27;
	v27 =	vand.u32 $0x7FFFFFFF, v28;
	v28 =	vld [tilespmem:s0+$0x1E0]  }
0xf4: {  	v29 =	vld [tilespmem:s0+$0xFFFFFE90];
	v19 =	vand.u32 $0x7FFFFFFF, v19;
	v21 =	vand.u32 $0x7FFFFFFF, v21;
	v22 =	vsub.f32 v2, v22  }
0xf5: {  	v23 =	vand.u32 $0x7FFFFFFF, v23;
	v19 =	vadd.f32 v21, v19;
	v21 =	vadd.f32 v27, v26  }
0xf6: {  	v26 =	vld [tilespmem:s0+$0x1F0];
	v3 =	vsub.f32 v3, v20;
	v22 =	vand.u32 $0x7FFFFFFF, v22;
	v20 =	vsub.f32 v1, v25  }
0xf7: {  	v19 =	vadd.f32 v22, v19;
	v21 =	vadd.f32 v23, v21;
	v22 =	vld [tilespmem:s0+$0xFFFFFF50]  }
0xf8: {  	v23 =	vld [tilespmem:s0+$0xFFFFFEB0];
	v3 =	vand.u32 $0x7FFFFFFF, v3;
	v20 =	vand.u32 $0x7FFFFFFF, v20;
	v2 =	vsub.f32 v2, v28  }
0xf9: {  	v24 =	vand.u32 $0x7FFFFFFF, v24;
	v25 =	vsub.f32 v1, v29;
	v3 =	vadd.f32 v20, v3  }
0xfa: {  	(xrf2) =	vadd.scan.msk.f32 $0xffff, v15;
	v15 =	vand.u32 $0x7FFFFFFF, v18;
	v19 =	vadd.f32 v24, v19;
	v20 =	vld [tilespmem:s0+$0x10];
	v2 =	vand.u32 $0x7FFFFFFF, v2  }
0xfb: {  	v18 =	vand.u32 $0x7FFFFFFF, v25;
	v25 =	vld [tilespmem:s0+$0xFFFFFF70];
	v24 =	vsub.f32 v0, v26;
	v2 =	vadd.f32 v2, v3  }
0xfc: {  	v16 =	vand.u32 $0x7FFFFFFF, v16;
	(xrf2) =	vadd.scan.msk.f32 $0xffff, v17;
	v3 =	vadd.f32 v18, v15;
	v15 =	vsub.f32 v1, v22  }
0xfd: {  	v14 =	vand.u32 $0x7FFFFFFF, v14;
	(xrf2) =	vadd.scan.msk.f32 $0xffff, v21;
	v21 =	vld [tilespmem:s0+$0xD0];
	v17 =	vand.u32 $0x7FFFFFFF, v24;
	v18 =	vsub.f32 v0, v23  }
0xfe: {  	v2 =	vadd.f32 v17, v2;
	v3 =	vadd.f32 v16, v3;
	v15 =	vand.u32 $0x7FFFFFFF, v15  }
0xff: {  	(xrf2) =	vadd.scan.msk.f32 $0xffff, v19;
	v16 =	vld [tilespmem:s0+$0x30];
	v17 =	vand.u32 $0x7FFFFFFF, v18;
	v14 =	vadd.f32 v15, v14;
	v15 =	vsub.f32 v1, v20  }
0x100: {  	(xrf2) =	vadd.scan.msk.f32 $0xffff, v2;
	v2 =	vadd.f32 v17, v3;
	v3 =	vand.u32 $0x7FFFFFFF, v13;
	v13 =	vsub.f32 v0, v25;
	v17 =	vld [tilespmem:s0+$0x190]  }
0x101: {  	v12 =	vand.u32 $0x7FFFFFFF, v12;
	v3 =	vadd.f32 v3, v14;
	v14 =	vand.u32 $0x7FFFFFFF, v15  }
0x102: {  	v13 =	vand.u32 $0x7FFFFFFF, v13;
	v12 =	vadd.f32 v14, v12;
	v14 =	vsub.f32 v1, v21  }
0x103: {  	v8 =	vand.u32 $0x7FFFFFFF, v8;
	v7 =	vand.u32 $0x7FFFFFFF, v7;
	v15 =	vld [tilespmem:s0+$0xF0];
	v3 =	vadd.f32 v13, v3  }
0x104: {  	v18, _, _ =	vpop (xrf2);
	(xrf2) =	vadd.scan.msk.f32 $0xffff, v2;
	v13 =	vsub.f32 v0, v16;
	v8 =	vadd.f32 v8, v12;
	v12 =	vand.u32 $0x7FFFFFFF, v14  }
0x105: {  	v2, _, _ =	vpop (xrf2);
	v14 =	vld [tilespmem:s0+$0x1B0];
	v1 =	vsub.f32 v1, v17;
	v7 =	vadd.f32 v12, v7  }
0x106: {  	v6 =	vand.u32 $0x7FFFFFFF, v6;
	v5 =	vand.u32 $0x7FFFFFFF, v5;
	v16, _, _ =	vpop (xrf2);
	v13 =	vand.u32 $0x7FFFFFFF, v13  }
0x107: {  	v19, _, _ =	vpop (xrf2);
	(xrf2) =	vadd.scan.msk.f32 $0xffff, v3;
	v8 =	vadd.f32 v13, v8;
	v1 =	vand.u32 $0x7FFFFFFF, v1;
	v6 =	vadd.f32 v6, v7  }
0x108: {  	v12 =	vsub.f32 v0, v15;
	v3, _, _ =	vpop (xrf2);
	v1 =	vadd.f32 v1, v5  }
0x109: {  	v4 =	vand.u32 $0x7FFFFFFF, v4;
	v13, _, _ =	vpop (xrf2)  }
0x10a: {  	v12 =	vand.u32 $0x7FFFFFFF, v12;
	(xrf2) =	vadd.scan.msk.f32 $0xffff, v8;
	v7, _, _ =	vpop (xrf2);
	v0 =	vsub.f32 v0, v14;
	v1 =	vadd.f32 v4, v1  }
0x10b: {  	v5 =	vadd.f32 v12, v6;
	v6, _, _ =	vpop (xrf2)  }
0x10c: {  	v0 =	vand.u32 $0x7FFFFFFF, v0;
	(v2sf) =	vpush v6, $0xF  }
0x10d: {  	(xrf2) =	vadd.scan.msk.f32 $0xffff, v5;
	v0 =	vadd.f32 v0, v1;
	(v2sf) =	vpush v7, $0xF  }
0x10e: {  	v1, _, _ =	vpop (xrf2);
	(v2sf) =	vpush v13, $0xF  }
0x10f: {  	(v2sf) =	vpush v1, $0xF  }
0x110: {  	(xrf2) =	vadd.scan.msk.f32 $0xffff, v0;
	(v2sf) =	vpush v3, $0xF  }
0x111: {  	v0, _, _ =	vpop (xrf2);
	(v2sf) =	vpush v19, $0xF  }
0x112: {  	(v2sf) =	vpush v0, $0xF  }
0x113: {  	(v2sf) =	vpush v16, $0xF  }
0x114: {  	v0, _, _ =	vpop (xrf2);
	(v2sf) =	vpush v2, $0xF  }
0x115: {  	(v2sf) =	vpush v0, $0xF  }
0x116: {  	(v2sf) =	vpush v18, $0xF  }
0x117: {  	v0, _, _ =	vpop (xrf2);
	(v2sf) =	vpush v11, $0xF  }
0x118: {  	(v2sf) =	vpush v0, $0xF  }
0x119: {  	(v2sf) =	vpush v10, $0xF  }
0x11a: {  	v0, _, _ =	vpop (xrf2);
	(v2sf) =	vpush v9, $0xF  }
0x11b: {  	(v2sf) =	vpush v0, $0xF;
	s15 =	spop (v2sf)  }
0x11c: {  	s0 =	ssub.f32 $1.200000000e+01, s15;
	s14 =	spop (v2sf)  }
0x11d: {  	s14 =	ssub.f32 $1.200000000e+01, s14;
	s15 =	spop (v2sf)  }
0x11e: {  	s15 =	ssub.f32 $1.200000000e+01, s15;
	v0 =	vmov s0;
	s18 =	spop (v2sf)  }
0x11f: {  	s0 =	ssub.f32 $1.200000000e+01, s18;
	v0 =	vsel vm0, s14, v0;
	s19 =	spop (v2sf)  }
0x120: {  	s14 =	ssub.f32 $1.200000000e+01, s19;
	v0 =	vsel vm1, s15, v0;
	s18 =	spop (v2sf)  }
0x121: {  	s15 =	ssub.f32 $1.200000000e+01, s18;
	v0 =	vsel vm2, s0, v0;
	s19 =	spop (v2sf)  }
0x122: {  	s0 =	ssub.f32 $1.200000000e+01, s19;
	v0 =	vsel vm3, s14, v0;
	s18 =	spop (v2sf)  }
0x123: {  	s14 =	ssub.f32 $1.200000000e+01, s18;
	v0 =	vsel vm4, s15, v0;
	s19 =	spop (v2sf)  }
0x124: {  	s15 =	ssub.f32 $1.200000000e+01, s19;
	v0 =	vsel vm5, s0, v0;
	s18 =	spop (v2sf)  }
0x125: {  	s0 =	ssub.f32 $1.200000000e+01, s18;
	v0 =	vsel vm6, s14, v0;
	s19 =	spop (v2sf)  }
0x126: {  	s14 =	ssub.f32 $1.200000000e+01, s19;
	v0 =	vsel vm7, s15, v0;
	s18 =	spop (v2sf)  }
0x127: {  	s15 =	ssub.f32 $1.200000000e+01, s18;
	v0 =	vsel vm8, s0, v0;
	s19 =	spop (v2sf)  }
0x128: {  	s0 =	ssub.f32 $1.200000000e+01, s19;
	v0 =	vsel vm9, s14, v0;
	s18 =	spop (v2sf)  }
0x129: {  	s14 =	ssub.f32 $1.200000000e+01, s18;
	v0 =	vsel vm10, s15, v0;
	s19 =	spop (v2sf)  }
0x12a: {  	s15 =	ssub.f32 $1.200000000e+01, s19;
	v0 =	vsel vm11, s0, v0;
	s18 =	spop (v2sf)  }
0x12b: {  	s0 =	ssub.f32 $1.200000000e+01, s18;
	v0 =	vsel vm12, s14, v0  }
0x12c: {  	p1 =	seq.s32 s29, $0x1F;
	s19 =	sadd.s32 s6, s31;
	v0 =	vsel vm13, s15, v0  }
0x12d: {  	s18 =	sshll.u32 s19, $0x4;
	s15 =	sshra.s32 s1, $0x2;
	v0 =	vsel vm14, s0, v0;
	s0 =	sshll.u32 @!p1 s29, $0x8  }
0x12e: {  	s19 =	sadd.s32 s5, s18;
	[tilespmem:s15+$0x7040] =	vst v0;
	s0 =	sand.u32 @!p1 $0x3FFFFF00, s0  }
0x12f: {  	[hbm4b:s19+s2] =	stream.linear.scatter [tilespmem:s22], [sflag:$0x3], $0x80, $0x38;
	[tilespmem:$0x7140] =	vst v63  }
0x130: {  	s14 =	simm.s32 @!p1 $0x3040;
	s1 =	simm.s32 @!p1 $0x80;
	s0 =	sadd.s32 @!p1 $0x1140, s0  }
0x131: {  	[tilespmem:s14], [sflag:$0x1] =	stream.indirect.gather @!p1 [hbm4b:s3+s1], $0x40, s0, s1, $0xb8;
	[tilespmem:$0x7140] =	vst v63  }
0x132: {  	_ =	swait.ge [sflag:s23], $0x2000  }
0x133: {  	[sflag:s23] =	ssyncset.done $0x0  }
0x134: {  	s0 =	simm.s32 @!p0 $0x4;
	[sflag:s23] =	ssyncadd.s32 $0xFFFFE000  }
0x135: {  	_ =	swait.ge @!p0 [sflag:s0], $0x80  }
0x136: {  	[sflag:s0] =	ssyncset.done @!p0 $0x0  }
0x137: {  	[sflag:s0] =	ssyncadd.s32 @!p0 $0xFFFFFF80  }
0x138: {  	v3 =	vld [tilespmem:s30+$0x40]  }
0x139: {  	v1 =	vld [tilespmem:s30+$0x50]  }
0x13a: {  	v2 =	vld [tilespmem:s30+$0x60]  }
0x13b: {  	s0 =	simm.s32 $0x5240;
	v0 =	vld [tilespmem:s30+$0x70]  }
0x13c: {  	v4 =	vld [tilespmem:s0+$0x1A0]  }
0x13d: {  	v5 =	vld [tilespmem:s0+$0x170]  }
0x13e: {  	v7 =	vld [tilespmem:s0+$0x140]  }
0x13f: {  	v8 =	vld [tilespmem:s0+$0x150]  }
0x140: {  	v9 =	vld [tilespmem:s0+$0x100]  }
0x141: {  	v10 =	vld [tilespmem:s0+$0x110]  }
0x142: {  	v11 =	vld [tilespmem:s0+$0x160]  }
0x143: {  	v12 =	vld [tilespmem:s0+$0x120]  }
0x144: {  	v6 =	vld [tilespmem:s0+$0x180]  }
0x145: {  	v13 =	vld [tilespmem:s0+$0x130];
	v7 =	vsub.f32 v3, v7  }
0x146: {  	v15 =	vld [tilespmem:s0+$0xB0];
	v9 =	vsub.f32 v3, v9;
	v10 =	vsub.f32 v1, v10  }
0x147: {  	v19 =	vld [tilespmem:s0+$0x60];
	v8 =	vsub.f32 v1, v8;
	v11 =	vsub.f32 v2, v11  }
0x148: {  	v17 =	vld [tilespmem:s0+$0x80];
	v12 =	vsub.f32 v2, v12;
	v9 =	vand.u32 $0x7FFFFFFF, v9;
	v10 =	vand.u32 $0x7FFFFFFF, v10  }
0x149: {  	v18 =	vld [tilespmem:s0+$0x90];
	v7 =	vand.u32 $0x7FFFFFFF, v7;
	v8 =	vand.u32 $0x7FFFFFFF, v8;
	v9 =	vadd.f32 v10, v9  }
0x14a: {  	v7 =	vadd.f32 v8, v7;
	v8 =	vld [tilespmem:s0+$0x40];
	v10 =	vand.u32 $0x7FFFFFFF, v12;
	v12 =	vsub.f32 v0, v13  }
0x14b: {  	v5 =	vsub.f32 v0, v5;
	v11 =	vand.u32 $0x7FFFFFFF, v11;
	v13 =	vld [tilespmem:s0+$0x50];
	v9 =	vadd.f32 v10, v9  }
0x14c: {  	v14 =	vld [tilespmem:s0+$0xE0];
	v19 =	vsub.f32 v2, v19;
	v7 =	vadd.f32 v11, v7;
	v11 =	vand.u32 $0x7FFFFFFF, v12  }
0x14d: {  	v10 =	vld [tilespmem:s0+$0xA0];
	v12 =	vand.u32 $0x7FFFFFFF, v5;
	v5 =	vsub.f32 v3, v6;
	v9 =	vadd.f32 v11, v9  }
0x14e: {  	v16 =	vld [tilespmem:s0+$0xC0];
	v12 =	vadd.f32 v12, v7;
	v11 =	vsub.f32 v0, v15  }
0x14f: {  	v7 =	vld [tilespmem:s0+$0x70];
	v15 =	vsub.f32 v3, v17;
	v17 =	vsub.f32 v1, v18  }
0x150: {  	v21 =	vld [tilespmem:s0+$0xFFFFFFC0];
	v8 =	vsub.f32 v3, v8;
	v13 =	vsub.f32 v1, v13  }
0x151: {  	v22 =	vld [tilespmem:s0+$0xFFFFFFD0];
	v6 =	vsub.f32 v2, v14;
	v15 =	vand.u32 $0x7FFFFFFF, v15;
	v17 =	vand.u32 $0x7FFFFFFF, v17  }
0x152: {  	v14 =	vld [tilespmem:s0+$0x20];
	v10 =	vsub.f32 v2, v10;
	v8 =	vand.u32 $0x7FFFFFFF, v8;
	v13 =	vand.u32 $0x7FFFFFFF, v13  }
0x153: {  	v18 =	vld [tilespmem:s0+$0xFFFFFFF0];
	v8 =	vadd.f32 v13, v8;
	v13 =	vadd.f32 v17, v15  }
0x154: {  	v15 =	vld [tilespmem:s0+$0xFFFFFF80];
	v17 =	vand.u32 $0x7FFFFFFF, v19;
	v7 =	vsub.f32 v0, v7;
	v10 =	vand.u32 $0x7FFFFFFF, v10  }
0x155: {  	v19 =	vld [tilespmem:s0+$0xFFFFFF90];
	v8 =	vadd.f32 v17, v8;
	v10 =	vadd.f32 v10, v13  }
0x156: {  	v11 =	vand.u32 $0x7FFFFFFF, v11;
	v13 =	vld [tilespmem:s0+$0xFFFFFFE0];
	v17 =	vand.u32 $0x7FFFFFFF, v7;
	v7 =	vsub.f32 v3, v16  }
0x157: {  	v16 =	vld [tilespmem:s0+$0xFFFFFFA0];
	v23 =	vadd.f32 v17, v8;
	v10 =	vadd.f32 v11, v10  }
0x158: {  	v20 =	vld [tilespmem:s0+$0x0];
	v17 =	vsub.f32 v0, v18;
	v18 =	vsub.f32 v3, v21  }
0x159: {  	v11 =	vld [tilespmem:s0+$0xFFFFFFB0];
	v21 =	vsub.f32 v1, v22;
	v15 =	vsub.f32 v3, v15  }
0x15a: {  	v25 =	vld [tilespmem:s0+$0xFFFFFF00];
	v8 =	vsub.f32 v2, v14;
	v19 =	vsub.f32 v1, v19;
	v18 =	vand.u32 $0x7FFFFFFF, v18  }
0x15b: {  	v26 =	vld [tilespmem:s0+$0xFFFFFF10];
	v21 =	vand.u32 $0x7FFFFFFF, v21;
	v13 =	vsub.f32 v2, v13;
	v15 =	vand.u32 $0x7FFFFFFF, v15  }
0x15c: {  	v14 =	vld [tilespmem:s0+$0xFFFFFF60];
	v19 =	vand.u32 $0x7FFFFFFF, v19;
	v18 =	vadd.f32 v21, v18;
	v16 =	vsub.f32 v2, v16  }
0x15d: {  	v21 =	vld [tilespmem:s0+$0xFFFFFED0];
	v15 =	vadd.f32 v19, v15;
	v13 =	vand.u32 $0x7FFFFFFF, v13  }
0x15e: {  	(xrf2) =	vadd.scan.msk.f32 $0xffff, v12;
	v19 =	vld [tilespmem:s0+$0xFFFFFEC0];
	v11 =	vsub.f32 v0, v11;
	v16 =	vand.u32 $0x7FFFFFFF, v16;
	v13 =	vadd.f32 v13, v18  }
0x15f: {  	(xrf2) =	vadd.scan.msk.f32 $0xffff, v9;
	v9 =	vsub.f32 v3, v25;
	v17 =	vand.u32 $0x7FFFFFFF, v17;
	v15 =	vadd.f32 v16, v15;
	v16 =	vld [tilespmem:s0+$0xFFFFFF20]  }
0x160: {  	v18 =	vand.u32 $0x7FFFFFFF, v11;
	v11 =	vsub.f32 v3, v20;
	v20 =	vld [tilespmem:s0+$0xFFFFFEE0];
	v27 =	vadd.f32 v17, v13  }
0x161: {  	v12 =	vld [tilespmem:s0+$0xFFFFFEF0];
	v13 =	vsub.f32 v2, v14;
	v14 =	vsub.f32 v1, v26  }
0x162: {  	v24 =	vld [tilespmem:s0+$0xFFFFFF40];
	v9 =	vand.u32 $0x7FFFFFFF, v9  }
0x163: {  	v22 =	vld [tilespmem:s0+$0xFFFFFF30];
	(xrf2) =	vadd.scan.msk.f32 $0xffff, v10;
	v17 =	vsub.f32 v3, v19;
	v19 =	vsub.f32 v1, v21;
	v10 =	vand.u32 $0x7FFFFFFF, v14  }
0x164: {  	v28 =	vld [tilespmem:s0+$0xFFFFFEA0];
	v9 =	vadd.f32 v10, v9;
	v14 =	vsub.f32 v2, v16  }
0x165: {  	v29 =	vld [tilespmem:s0+$0xFFFFFE80];
	v16 =	vand.u32 $0x7FFFFFFF, v17;
	v17 =	vand.u32 $0x7FFFFFFF, v19;
	v19 =	vsub.f32 v2, v20  }
0x166: {  	v12 =	vsub.f32 v0, v12;
	v20 =	vld [tilespmem:s0+$0xFFFFFE40];
	v16 =	vadd.f32 v17, v16;
	v14 =	vand.u32 $0x7FFFFFFF, v14  }
0x167: {  	v30 =	vld [tilespmem:s0+$0xFFFFFE60];
	v18 =	vadd.f32 v18, v15;
	v10 =	vand.u32 $0x7FFFFFFF, v19;
	v9 =	vadd.f32 v14, v9  }
0x168: {  	v25 =	vld [tilespmem:s0+$0xFFFFFE70];
	(xrf2) =	vadd.scan.msk.f32 $0xffff, v23;
	v15 =	vsub.f32 v0, v22;
	v10 =	vadd.f32 v10, v16  }
0x169: {  	v12 =	vand.u32 $0x7FFFFFFF, v12;
	v26 =	vld [tilespmem:s0+$0xFFFFFE50]  }
0x16a: {  	v21 =	vld [tilespmem:s0+$0xFFFFFE10];
	v15 =	vand.u32 $0x7FFFFFFF, v15;
	v17 =	vadd.f32 v12, v10  }
0x16b: {  	v19 =	vld [tilespmem:s0+$0xFFFFFE00];
	v15 =	vadd.f32 v15, v9;
	v12 =	vsub.f32 v3, v20;
	v9, _, _ =	vpop (xrf2);
	(xrf2) =	vadd.scan.msk.f32 $0xffff, v27  }
0x16c: {  	v14 =	vsub.f32 v3, v24;
	v24 =	vld [tilespmem:s0+$0xFFFFFE30]  }
0x16d: {  	v4 =	vsub.f32 v2, v4;
	v23 =	vsub.f32 v0, v25;
	v22 =	vld [tilespmem:s0+$0xFFFFFE20]  }
0x16e: {  	v25 =	vld [tilespmem:s0+$0x1D0];
	v26 =	vsub.f32 v1, v26;
	v16 =	vsub.f32 v2, v28;
	v10, _, _ =	vpop (xrf2);
	(xrf2) =	vadd.scan.msk.f32 $0xffff, v18  }
0x16f: {  	s31 =	sor.u32 $0x1, s31;
	s1 =	simm.s32 $0x40;
	s30 =	simm.s32 $0x0;
	v28 =	vsub.f32 v2, v30;
	v20 =	vld [tilespmem:s0+$0x1C0];
	v27 =	vand.u32 $0x7FFFFFFF, v12;
	v18 =	vsub.f32 v3, v29;
	v12, _, _ =	vpop (xrf2)  }
.LBB2_7:
0x170: {  	p0 =	sne.s32 s1, $0x1C0;
	v19 =	vsub.f32 v3, v19;
	v21 =	vsub.f32 v1, v21;
	v26 =	vand.u32 $0x7FFFFFFF, v26  }
0x171: {  	v24 =	vsub.f32 v0, v24;
	v26 =	vadd.f32 v26, v27;
	v27 =	vand.u32 $0x7FFFFFFF, v28;
	v28 =	vld [tilespmem:s0+$0x1E0];
	(xrf2) =	vadd.scan.msk.f32 $0xffff, v15  }
0x172: {  	v19 =	vand.u32 $0x7FFFFFFF, v19;
	v21 =	vand.u32 $0x7FFFFFFF, v21;
	v30 =	vsub.f32 v2, v22;
	v29 =	vld [tilespmem:s0+$0xFFFFFE90];
	v15, _, _ =	vpop (xrf2)  }
0x173: {  	v23 =	vand.u32 $0x7FFFFFFF, v23;
	v19 =	vadd.f32 v21, v19;
	v21 =	vadd.f32 v27, v26;
	v26 =	vld [tilespmem:s0+$0x1F0]  }
0x174: {  	v20 =	vsub.f32 v3, v20;
	v27 =	vand.u32 $0x7FFFFFFF, v30;
	v25 =	vsub.f32 v1, v25;
	(xrf2) =	vadd.scan.msk.f32 $0xffff, v17  }
0x175: {  	v17 =	vadd.f32 v27, v19;
	v19 =	vadd.f32 v23, v21;
	v21 =	vld [tilespmem:s0+$0xFFFFFF50];
	v22, _, _ =	vpop (xrf2)  }
0x176: {  	v20 =	vand.u32 $0x7FFFFFFF, v20;
	v23 =	vld [tilespmem:s0+$0xFFFFFEB0];
	v25 =	vand.u32 $0x7FFFFFFF, v25;
	v27 =	vsub.f32 v2, v28  }
0x177: {  	v24 =	vand.u32 $0x7FFFFFFF, v24;
	v28 =	vsub.f32 v1, v29;
	v20 =	vadd.f32 v25, v20;
	(xrf2) =	vadd.scan.msk.f32 $0xffff, v19  }
0x178: {  	v17 =	vadd.f32 v24, v17;
	v19 =	vld [tilespmem:s0+$0x10];
	v24 =	vand.u32 $0x7FFFFFFF, v27;
	v25 =	vsub.f32 v0, v26;
	v26, _, _ =	vpop (xrf2)  }
0x179: {  	v18 =	vand.u32 $0x7FFFFFFF, v18;
	v27 =	vand.u32 $0x7FFFFFFF, v28;
	v28 =	vld [tilespmem:s0+$0xFFFFFF70];
	v20 =	vadd.f32 v24, v20  }
0x17a: {  	v18 =	vadd.f32 v27, v18;
	v21 =	vsub.f32 v1, v21;
	v25 =	vand.u32 $0x7FFFFFFF, v25;
	(xrf2) =	vadd.scan.msk.f32 $0xffff, v17  }
0x17b: {  	v16 =	vand.u32 $0x7FFFFFFF, v16;
	v17 =	vsub.f32 v0, v23;
	v23 =	vld [tilespmem:s0+$0xD0];
	v25 =	vadd.f32 v25, v20;
	v24, _, _ =	vpop (xrf2)  }
0x17c: {  	v14 =	vand.u32 $0x7FFFFFFF, v14;
	v16 =	vadd.f32 v16, v18;
	v18 =	vand.u32 $0x7FFFFFFF, v21;
	v21 =	vld [tilespmem:s0+$0x30]  }
0x17d: {  	v17 =	vand.u32 $0x7FFFFFFF, v17;
	v14 =	vadd.f32 v18, v14;
	v18 =	vsub.f32 v1, v19;
	(xrf2) =	vadd.scan.msk.f32 $0xffff, v25  }
0x17e: {  	v13 =	vand.u32 $0x7FFFFFFF, v13;
	v16 =	vadd.f32 v17, v16;
	v27 =	vsub.f32 v0, v28;
	v19 =	vld [tilespmem:s0+$0x190];
	v20, _, _ =	vpop (xrf2)  }
0x17f: {  	v11 =	vand.u32 $0x7FFFFFFF, v11;
	v13 =	vadd.f32 v13, v14;
	v14 =	vand.u32 $0x7FFFFFFF, v18;
	v18 =	vld [tilespmem:s0+$0xF0]  }
0x180: {  	v25 =	vand.u32 $0x7FFFFFFF, v27;
	v11 =	vadd.f32 v14, v11;
	v14 =	vsub.f32 v1, v23;
	(xrf2) =	vadd.scan.msk.f32 $0xffff, v16  }
0x181: {  	v8 =	vand.u32 $0x7FFFFFFF, v8;
	v13 =	vadd.f32 v25, v13;
	v23 =	vsub.f32 v0, v21;
	v17, _, _ =	vpop (xrf2)  }
0x182: {  	v7 =	vand.u32 $0x7FFFFFFF, v7;
	v8 =	vadd.f32 v8, v11;
	v11 =	vand.u32 $0x7FFFFFFF, v14;
	v14 =	vld [tilespmem:s0+$0x1B0]  }
0x183: {  	v21 =	vand.u32 $0x7FFFFFFF, v23;
	v7 =	vadd.f32 v11, v7;
	v11 =	vsub.f32 v1, v19;
	(xrf2) =	vadd.scan.msk.f32 $0xffff, v13  }
0x184: {  	v6 =	vand.u32 $0x7FFFFFFF, v6;
	v19 =	vadd.f32 v21, v8;
	v13 =	vsub.f32 v0, v18;
	v16, _, _ =	vpop (xrf2)  }
0x185: {  	v5 =	vand.u32 $0x7FFFFFFF, v5;
	v6 =	vadd.f32 v6, v7;
	v7 =	vand.u32 $0x7FFFFFFF, v11  }
0x186: {  	v11 =	vand.u32 $0x7FFFFFFF, v13;
	v5 =	vadd.f32 v7, v5;
	(xrf2) =	vadd.scan.msk.f32 $0xffff, v19  }
0x187: {  	v4 =	vand.u32 $0x7FFFFFFF, v4;
	v6 =	vadd.f32 v11, v6;
	v7 =	vsub.f32 v0, v14;
	v8, _, _ =	vpop (xrf2)  }
0x188: {  	v4 =	vadd.f32 v4, v5;
	(v2sf) =	vpush v8, $0xF  }
0x189: {  	v7 =	vand.u32 $0x7FFFFFFF, v7;
	(v2sf) =	vpush v16, $0xF;
	(xrf2) =	vadd.scan.msk.f32 $0xffff, v6  }
0x18a: {  	v6 =	vadd.f32 v7, v4;
	(v2sf) =	vpush v17, $0xF;
	v5, _, _ =	vpop (xrf2)  }
0x18b: {  	(v2sf) =	vpush v5, $0xF  }
0x18c: {  	(v2sf) =	vpush v20, $0xF;
	(xrf2) =	vadd.scan.msk.f32 $0xffff, v6  }
0x18d: {  	(v2sf) =	vpush v24, $0xF;
	v4, _, _ =	vpop (xrf2)  }
0x18e: {  	(v2sf) =	vpush v4, $0xF  }
0x18f: {  	(v2sf) =	vpush v26, $0xF  }
0x190: {  	(v2sf) =	vpush v22, $0xF;
	v4, _, _ =	vpop (xrf2)  }
0x191: {  	(v2sf) =	vpush v4, $0xF  }
0x192: {  	(v2sf) =	vpush v15, $0xF  }
0x193: {  	(v2sf) =	vpush v12, $0xF;
	v4, _, _ =	vpop (xrf2)  }
0x194: {  	(v2sf) =	vpush v4, $0xF  }
0x195: {  	(v2sf) =	vpush v10, $0xF  }
0x196: {  	(v2sf) =	vpush v9, $0xF;
	v4, _, _ =	vpop (xrf2)  }
0x197: {  	(v2sf) =	vpush v4, $0xF;
	s14 =	spop (v2sf)  }
0x198: {  	s14 =	ssub.f32 $1.200000000e+01, s14;
	s15 =	spop (v2sf)  }
0x199: {  	s15 =	ssub.f32 $1.200000000e+01, s15;
	s18 =	spop (v2sf)  }
0x19a: {  	s18 =	ssub.f32 $1.200000000e+01, s18;
	v4 =	vmov s14;
	s14 =	spop (v2sf)  }
0x19b: {  	s14 =	ssub.f32 $1.200000000e+01, s14;
	v4 =	vsel vm0, s15, v4;
	s15 =	spop (v2sf)  }
0x19c: {  	s15 =	ssub.f32 $1.200000000e+01, s15;
	v4 =	vsel vm1, s18, v4;
	s18 =	spop (v2sf)  }
0x19d: {  	s18 =	ssub.f32 $1.200000000e+01, s18;
	v4 =	vsel vm2, s14, v4;
	s14 =	spop (v2sf)  }
0x19e: {  	s14 =	ssub.f32 $1.200000000e+01, s14;
	v4 =	vsel vm3, s15, v4;
	s15 =	spop (v2sf)  }
0x19f: {  	s15 =	ssub.f32 $1.200000000e+01, s15;
	v4 =	vsel vm4, s18, v4;
	s18 =	spop (v2sf)  }
0x1a0: {  	s18 =	ssub.f32 $1.200000000e+01, s18;
	v4 =	vsel vm5, s14, v4;
	s14 =	spop (v2sf)  }
0x1a1: {  	s14 =	ssub.f32 $1.200000000e+01, s14;
	v4 =	vsel vm6, s15, v4;
	s15 =	spop (v2sf)  }
0x1a2: {  	s15 =	ssub.f32 $1.200000000e+01, s15;
	v4 =	vsel vm7, s18, v4;
	s18 =	spop (v2sf)  }
0x1a3: {  	s18 =	ssub.f32 $1.200000000e+01, s18;
	v4 =	vsel vm8, s14, v4;
	s14 =	spop (v2sf)  }
0x1a4: {  	s14 =	ssub.f32 $1.200000000e+01, s14;
	v4 =	vsel vm9, s15, v4;
	s15 =	spop (v2sf)  }
0x1a5: {  	s15 =	ssub.f32 $1.200000000e+01, s15;
	v4 =	vsel vm10, s18, v4;
	s18 =	spop (v2sf)  }
0x1a6: {  	s18 =	ssub.f32 $1.200000000e+01, s18;
	v4 =	vsel vm11, s14, v4;
	s14 =	spop (v2sf)  }
0x1a7: {  	s14 =	ssub.f32 $1.200000000e+01, s14;
	v4 =	vsel vm12, s15, v4  }
0x1a8: {  	v4 =	vsel vm13, s18, v4  }
0x1a9: {  	v4 =	vsel vm14, s14, v4;
	s14 =	sshra.s32 s30, $0x2;
	s30 =	smov.u32 s1  }
0x1aa: {  	s0 =	sadd.s32 $0x400, s0;
	[tilespmem:s14+$0x70C0] =	vst v4  }
0x1ab: {  	v4 =	vld [tilespmem:s0+$0x1A0]  }
0x1ac: {  	v5 =	vld [tilespmem:s0+$0x170]  }
0x1ad: {  	v6 =	vld [tilespmem:s0+$0x180]  }
0x1ae: {  	v7 =	vld [tilespmem:s0+$0x140]  }
0x1af: {  	v8 =	vld [tilespmem:s0+$0x150]  }
0x1b0: {  	v9 =	vld [tilespmem:s0+$0x100]  }
0x1b1: {  	v10 =	vld [tilespmem:s0+$0x110]  }
0x1b2: {  	v11 =	vld [tilespmem:s0+$0x160]  }
0x1b3: {  	v12 =	vld [tilespmem:s0+$0x120]  }
0x1b4: {  	v4 =	vsub.f32 v2, v4;
	v5 =	vsub.f32 v0, v5;
	v13 =	vld [tilespmem:s0+$0x130]  }
0x1b5: {  	v7 =	vsub.f32 v3, v7;
	v8 =	vsub.f32 v1, v8;
	v14 =	vld [tilespmem:s0+$0xE0]  }
0x1b6: {  	v9 =	vsub.f32 v3, v9;
	v15 =	vld [tilespmem:s0+$0xB0];
	v10 =	vsub.f32 v1, v10  }
0x1b7: {  	v7 =	vand.u32 $0x7FFFFFFF, v7;
	v8 =	vand.u32 $0x7FFFFFFF, v8;
	v16 =	vld [tilespmem:s0+$0xC0];
	v11 =	vsub.f32 v2, v11  }
0x1b8: {  	v9 =	vand.u32 $0x7FFFFFFF, v9;
	v17 =	vld [tilespmem:s0+$0x80];
	v10 =	vand.u32 $0x7FFFFFFF, v10;
	v12 =	vsub.f32 v2, v12  }
0x1b9: {  	v7 =	vadd.f32 v8, v7;
	v18 =	vld [tilespmem:s0+$0x90];
	v9 =	vadd.f32 v10, v9  }
0x1ba: {  	v11 =	vand.u32 $0x7FFFFFFF, v11;
	v8 =	vld [tilespmem:s0+$0x40];
	v10 =	vand.u32 $0x7FFFFFFF, v12;
	v12 =	vsub.f32 v0, v13  }
0x1bb: {  	v7 =	vadd.f32 v11, v7;
	v13 =	vld [tilespmem:s0+$0x50];
	v9 =	vadd.f32 v10, v9  }
0x1bc: {  	v10 =	vld [tilespmem:s0+$0xA0];
	v11 =	vand.u32 $0x7FFFFFFF, v12;
	v12 =	vand.u32 $0x7FFFFFFF, v5;
	v5 =	vsub.f32 v3, v6  }
0x1bd: {  	v19 =	vld [tilespmem:s0+$0x60];
	v9 =	vadd.f32 v11, v9;
	v11 =	vadd.f32 v12, v7  }
0x1be: {  	v6 =	vsub.f32 v2, v14;
	v12 =	vsub.f32 v0, v15;
	v7 =	vld [tilespmem:s0+$0x70]  }
0x1bf: {  	v15 =	vsub.f32 v3, v17;
	v17 =	vsub.f32 v1, v18;
	v14 =	vld [tilespmem:s0+$0x20]  }
0x1c0: {  	v8 =	vsub.f32 v3, v8;
	v18 =	vld [tilespmem:s0+$0xFFFFFFF0];
	v13 =	vsub.f32 v1, v13  }
0x1c1: {  	v15 =	vand.u32 $0x7FFFFFFF, v15;
	v17 =	vand.u32 $0x7FFFFFFF, v17;
	v20 =	vld [tilespmem:s0+$0x0];
	v10 =	vsub.f32 v2, v10  }
0x1c2: {  	v8 =	vand.u32 $0x7FFFFFFF, v8;
	v21 =	vld [tilespmem:s0+$0xFFFFFFC0];
	v13 =	vand.u32 $0x7FFFFFFF, v13;
	v19 =	vsub.f32 v2, v19  }
0x1c3: {  	v22 =	vld [tilespmem:s0+$0xFFFFFFD0];
	v8 =	vadd.f32 v13, v8;
	v13 =	vadd.f32 v17, v15  }
0x1c4: {  	v7 =	vsub.f32 v0, v7;
	v10 =	vand.u32 $0x7FFFFFFF, v10;
	v15 =	vld [tilespmem:s0+$0xFFFFFF80];
	v17 =	vand.u32 $0x7FFFFFFF, v19  }
0x1c5: {  	v19 =	vld [tilespmem:s0+$0xFFFFFF90];
	v8 =	vadd.f32 v17, v8;
	v10 =	vadd.f32 v10, v13  }
0x1c6: {  	v12 =	vand.u32 $0x7FFFFFFF, v12;
	v17 =	vand.u32 $0x7FFFFFFF, v7;
	v7 =	vsub.f32 v3, v16;
	v13 =	vld [tilespmem:s0+$0xFFFFFFE0]  }
0x1c7: {  	v16 =	vld [tilespmem:s0+$0xFFFFFFA0];
	v17 =	vadd.f32 v17, v8;
	v10 =	vadd.f32 v12, v10  }
0x1c8: {  	v18 =	vsub.f32 v0, v18;
	v8 =	vsub.f32 v2, v14;
	v12 =	vld [tilespmem:s0+$0xFFFFFFB0]  }
0x1c9: {  	v21 =	vsub.f32 v3, v21;
	v22 =	vsub.f32 v1, v22;
	v14 =	vld [tilespmem:s0+$0xFFFFFF60]  }
0x1ca: {  	v15 =	vsub.f32 v3, v15;
	v23 =	vld [tilespmem:s0+$0xFFFFFF30];
	v19 =	vsub.f32 v1, v19  }
0x1cb: {  	v21 =	vand.u32 $0x7FFFFFFF, v21;
	v22 =	vand.u32 $0x7FFFFFFF, v22;
	v24 =	vld [tilespmem:s0+$0xFFFFFF40];
	v13 =	vsub.f32 v2, v13  }
0x1cc: {  	v15 =	vand.u32 $0x7FFFFFFF, v15;
	v25 =	vld [tilespmem:s0+$0xFFFFFF00];
	v19 =	vand.u32 $0x7FFFFFFF, v19;
	v16 =	vsub.f32 v2, v16  }
0x1cd: {  	v26 =	vld [tilespmem:s0+$0xFFFFFF10];
	v15 =	vadd.f32 v19, v15;
	v19 =	vadd.f32 v22, v21  }
0x1ce: {  	v12 =	vsub.f32 v0, v12;
	v13 =	vand.u32 $0x7FFFFFFF, v13;
	v21 =	vld [tilespmem:s0+$0xFFFFFEC0];
	v16 =	vand.u32 $0x7FFFFFFF, v16;
	(xrf2) =	vadd.scan.msk.f32 $0xffff, v11  }
0x1cf: {  	v22 =	vld [tilespmem:s0+$0xFFFFFED0];
	v15 =	vadd.f32 v16, v15;
	v13 =	vadd.f32 v13, v19  }
0x1d0: {  	v18 =	vand.u32 $0x7FFFFFFF, v18;
	v11 =	vsub.f32 v3, v20;
	v12 =	vand.u32 $0x7FFFFFFF, v12;
	v16 =	vld [tilespmem:s0+$0xFFFFFF20]  }
0x1d1: {  	v19 =	vld [tilespmem:s0+$0xFFFFFEE0];
	v12 =	vadd.f32 v12, v15;
	v15 =	vadd.f32 v18, v13;
	(xrf2) =	vadd.scan.msk.f32 $0xffff, v9  }
0x1d2: {  	v18 =	vsub.f32 v0, v23;
	v13 =	vsub.f32 v2, v14;
	v9 =	vld [tilespmem:s0+$0xFFFFFEF0]  }
0x1d3: {  	v14 =	vsub.f32 v3, v25;
	v23 =	vsub.f32 v1, v26;
	v20 =	vld [tilespmem:s0+$0xFFFFFEA0]  }
0x1d4: {  	v21 =	vsub.f32 v3, v21;
	v25 =	vld [tilespmem:s0+$0xFFFFFE70];
	v22 =	vsub.f32 v1, v22;
	(xrf2) =	vadd.scan.msk.f32 $0xffff, v10  }
0x1d5: {  	v10 =	vand.u32 $0x7FFFFFFF, v14;
	v14 =	vand.u32 $0x7FFFFFFF, v23;
	v29 =	vld [tilespmem:s0+$0xFFFFFE80];
	v16 =	vsub.f32 v2, v16  }
0x1d6: {  	v21 =	vand.u32 $0x7FFFFFFF, v21;
	v28 =	vld [tilespmem:s0+$0xFFFFFE60];
	v22 =	vand.u32 $0x7FFFFFFF, v22;
	v19 =	vsub.f32 v2, v19  }
0x1d7: {  	v10 =	vadd.f32 v14, v10;
	v23 =	vld [tilespmem:s0+$0xFFFFFE40];
	v21 =	vadd.f32 v22, v21;
	(xrf2) =	vadd.scan.msk.f32 $0xffff, v17  }
0x1d8: {  	v17 =	vsub.f32 v0, v9;
	v16 =	vand.u32 $0x7FFFFFFF, v16;
	v26 =	vld [tilespmem:s0+$0xFFFFFE50];
	v14 =	vand.u32 $0x7FFFFFFF, v19;
	v9, _, _ =	vpop (xrf2)  }
0x1d9: {  	v27 =	vadd.f32 v16, v10;
	v19 =	vld [tilespmem:s0+$0xFFFFFE00];
	v22 =	vadd.f32 v14, v21  }
.Ltmp4:
0x1da: {  	v18 =	vand.u32 $0x7FFFFFFF, v18;
	v16 =	vand.u32 $0x7FFFFFFF, v17;
	v14 =	vsub.f32 v3, v24;
	v21 =	vld [tilespmem:s0+$0xFFFFFE10];
	(xrf2) =	vadd.scan.msk.f32 $0xffff, v15;
	(pc) =	sbr.rel @p0 .LBB2_7-.Ltmp4, $4  }
0x1db: {  	v15 =	vadd.f32 v18, v27;
	v24 =	vld [tilespmem:s0+$0xFFFFFE30];
	v17 =	vadd.f32 v16, v22;
	v10, _, _ =	vpop (xrf2)  }
0x1dc: {  	v16 =	vsub.f32 v2, v20;
	v22 =	vld [tilespmem:s0+$0xFFFFFE20];
	v18 =	vsub.f32 v3, v23  }
0x1dd: {  	v23 =	vsub.f32 v0, v25;
	v26 =	vsub.f32 v1, v26;
	v20 =	vld [tilespmem:s0+$0x1C0];
	(xrf2) =	vadd.scan.msk.f32 $0xffff, v12  }
0x1de: {  	s1 =	sadd.s32 $0x40, s1;
	v28 =	vsub.f32 v2, v28;
	v27 =	vand.u32 $0x7FFFFFFF, v18;
	v18 =	vsub.f32 v3, v29;
	v25 =	vld [tilespmem:s0+$0x1D0];
	v12, _, _ =	vpop (xrf2)  }
0x1df: {  	v19 =	vsub.f32 v3, v19;
	v21 =	vsub.f32 v1, v21  }
0x1e0: {  	v26 =	vand.u32 $0x7FFFFFFF, v26;
	v50 =	vld [tilespmem:s0+$0x1E0];
	v23 =	vand.u32 $0x7FFFFFFF, v23;
	v24 =	vsub.f32 v0, v24  }
0x1e1: {  	v29 =	vld [tilespmem:s0+$0xFFFFFE90];
	v19 =	vand.u32 $0x7FFFFFFF, v19;
	v21 =	vand.u32 $0x7FFFFFFF, v21;
	v22 =	vsub.f32 v2, v22  }
0x1e2: {  	v52 =	vld [tilespmem:s0+$0x1F0];
	v26 =	vadd.f32 v26, v27;
	v49 =	vand.u32 $0x7FFFFFFF, v28;
	v19 =	vadd.f32 v21, v19  }
0x1e3: {  	v55 =	vld [tilespmem:s0+$0xFFFFFF50];
	v53 =	vsub.f32 v3, v20;
	v22 =	vand.u32 $0x7FFFFFFF, v22;
	v54 =	vsub.f32 v1, v25  }
0x1e4: {  	v61 =	vand.u32 $0x7FFFFFFF, v18;
	v51 =	vadd.f32 v49, v26;
	v19 =	vadd.f32 v22, v19  }
0x1e5: {  	v56 =	vld [tilespmem:s0+$0xFFFFFEB0];
	v3 =	vand.u32 $0x7FFFFFFF, v53;
	v57 =	vsub.f32 v2, v50;
	v20 =	vand.u32 $0x7FFFFFFF, v54  }
0x1e6: {  	v24 =	vand.u32 $0x7FFFFFFF, v24;
	v58 =	vsub.f32 v1, v29;
	v3 =	vadd.f32 v20, v3  }
0x1e7: {  	v59 =	vld [tilespmem:s0+$0x10];
	v21 =	vadd.f32 v23, v51;
	v60 =	vsub.f32 v0, v52;
	v2 =	vand.u32 $0x7FFFFFFF, v57  }
0x1e8: {  	(xrf2) =	vadd.scan.msk.f32 $0xffff, v15;
	v63 =	vld [tilespmem:s0+$0xFFFFFF70];
	v29 =	vsub.f32 v1, v55;
	v62 =	vand.u32 $0x7FFFFFFF, v58;
	v2 =	vadd.f32 v2, v3  }
0x1e9: {  	(xrf2) =	vadd.scan.msk.f32 $0xffff, v17;
	v19 =	vadd.f32 v24, v19;
	v30 =	vand.u32 $0x7FFFFFFF, v60;
	v28 =	vadd.f32 v62, v61  }
0x1ea: {  	v16 =	vand.u32 $0x7FFFFFFF, v16;
	v32 =	vld [tilespmem:s0+$0xD0];
	v31 =	vsub.f32 v0, v56;
	(xrf2) =	vadd.scan.msk.f32 $0xffff, v21;
	v2 =	vadd.f32 v30, v2  }
0x1eb: {  	v14 =	vand.u32 $0x7FFFFFFF, v14;
	v33 =	vld [tilespmem:s0+$0x30];
	v15 =	vand.u32 $0x7FFFFFFF, v29;
	(xrf2) =	vadd.scan.msk.f32 $0xffff, v19;
	v3 =	vadd.f32 v16, v28  }
0x1ec: {  	v35 =	vsub.f32 v1, v59;
	v34 =	vand.u32 $0x7FFFFFFF, v31;
	v14 =	vadd.f32 v15, v14;
	(xrf2) =	vadd.scan.msk.f32 $0xffff, v2  }
0x1ed: {  	v37 =	vand.u32 $0x7FFFFFFF, v13;
	v39 =	vld [tilespmem:s0+$0x190];
	v38 =	vsub.f32 v0, v63;
	v36 =	vadd.f32 v34, v3  }
0x1ee: {  	v11 =	vand.u32 $0x7FFFFFFF, v11;
	v41 =	vld [tilespmem:s0+$0xF0];
	v40 =	vand.u32 $0x7FFFFFFF, v35;
	v3 =	vadd.f32 v37, v14  }
0x1ef: {  	v42, _, _ =	vpop (xrf2);
	v43 =	vsub.f32 v1, v32;
	v13 =	vand.u32 $0x7FFFFFFF, v38;
	v11 =	vadd.f32 v40, v11;
	(xrf2) =	vadd.scan.msk.f32 $0xffff, v36  }
0x1f0: {  	v8 =	vand.u32 $0x7FFFFFFF, v8;
	v44, _, _ =	vpop (xrf2);
	v45 =	vsub.f32 v0, v33;
	v3 =	vadd.f32 v13, v3  }
0x1f1: {  	v7 =	vand.u32 $0x7FFFFFFF, v7;
	v48 =	vld [tilespmem:s0+$0x1B0];
	v47 =	vand.u32 $0x7FFFFFFF, v43;
	v46, _, _ =	vpop (xrf2);
	v8 =	vadd.f32 v8, v11  }
0x1f2: {  	v50 =	vsub.f32 v1, v39;
	v7 =	vadd.f32 v47, v7;
	v49, _, _ =	vpop (xrf2);
	v13 =	vand.u32 $0x7FFFFFFF, v45;
	(xrf2) =	vadd.scan.msk.f32 $0xffff, v3  }
0x1f3: {  	v6 =	vand.u32 $0x7FFFFFFF, v6;
	v52 =	vsub.f32 v0, v41;
	v51, _, _ =	vpop (xrf2);
	v8 =	vadd.f32 v13, v8  }
0x1f4: {  	v5 =	vand.u32 $0x7FFFFFFF, v5;
	v1 =	vand.u32 $0x7FFFFFFF, v50;
	v6 =	vadd.f32 v6, v7;
	v53, _, _ =	vpop (xrf2)  }
0x1f5: {  	v1 =	vadd.f32 v1, v5;
	v11 =	vand.u32 $0x7FFFFFFF, v52;
	(xrf2) =	vadd.scan.msk.f32 $0xffff, v8;
	v54, _, _ =	vpop (xrf2)  }
0x1f6: {  	v4 =	vand.u32 $0x7FFFFFFF, v4;
	v56 =	vsub.f32 v0, v48;
	v55 =	vadd.f32 v11, v6;
	v57, _, _ =	vpop (xrf2)  }
0x1f7: {  	v1 =	vadd.f32 v4, v1;
	(v2sf) =	vpush v57, $0xF  }
0x1f8: {  	v0 =	vand.u32 $0x7FFFFFFF, v56;
	(xrf2) =	vadd.scan.msk.f32 $0xffff, v55;
	(v2sf) =	vpush v54, $0xF  }
0x1f9: {  	v0 =	vadd.f32 v0, v1;
	v58, _, _ =	vpop (xrf2);
	(v2sf) =	vpush v53, $0xF  }
0x1fa: {  	(v2sf) =	vpush v58, $0xF  }
0x1fb: {  	(xrf2) =	vadd.scan.msk.f32 $0xffff, v0;
	(v2sf) =	vpush v51, $0xF  }
0x1fc: {  	v59, _, _ =	vpop (xrf2);
	(v2sf) =	vpush v49, $0xF  }
0x1fd: {  	(v2sf) =	vpush v59, $0xF  }
0x1fe: {  	(v2sf) =	vpush v46, $0xF  }
0x1ff: {  	v60, _, _ =	vpop (xrf2);
	(v2sf) =	vpush v44, $0xF  }
0x200: {  	(v2sf) =	vpush v60, $0xF  }
0x201: {  	(v2sf) =	vpush v42, $0xF  }
0x202: {  	v61, _, _ =	vpop (xrf2);
	(v2sf) =	vpush v12, $0xF  }
0x203: {  	(v2sf) =	vpush v61, $0xF  }
0x204: {  	(v2sf) =	vpush v10, $0xF  }
0x205: {  	v62, _, _ =	vpop (xrf2);
	(v2sf) =	vpush v9, $0xF  }
0x206: {  	(v2sf) =	vpush v62, $0xF;
	s15 =	spop (v2sf)  }
0x207: {  	s0 =	ssub.f32 $1.200000000e+01, s15;
	s1 =	spop (v2sf)  }
0x208: {  	s1 =	ssub.f32 $1.200000000e+01, s1;
	s14 =	spop (v2sf)  }
0x209: {  	s14 =	ssub.f32 $1.200000000e+01, s14;
	v63 =	vmov s0;
	s18 =	spop (v2sf)  }
0x20a: {  	s0 =	ssub.f32 $1.200000000e+01, s18;
	v0 =	vsel vm0, s1, v63;
	s19 =	spop (v2sf)  }
0x20b: {  	s1 =	ssub.f32 $1.200000000e+01, s19;
	v0 =	vsel vm1, s14, v0;
	s15 =	spop (v2sf)  }
0x20c: {  	s14 =	ssub.f32 $1.200000000e+01, s15;
	v0 =	vsel vm2, s0, v0;
	s18 =	spop (v2sf)  }
0x20d: {  	s0 =	ssub.f32 $1.200000000e+01, s18;
	v0 =	vsel vm3, s1, v0;
	s19 =	spop (v2sf)  }
0x20e: {  	s1 =	ssub.f32 $1.200000000e+01, s19;
	v0 =	vsel vm4, s14, v0;
	s15 =	spop (v2sf)  }
0x20f: {  	s14 =	ssub.f32 $1.200000000e+01, s15;
	v0 =	vsel vm5, s0, v0;
	s18 =	spop (v2sf)  }
0x210: {  	s0 =	ssub.f32 $1.200000000e+01, s18;
	v0 =	vsel vm6, s1, v0;
	s19 =	spop (v2sf)  }
0x211: {  	s1 =	ssub.f32 $1.200000000e+01, s19;
	v0 =	vsel vm7, s14, v0;
	s15 =	spop (v2sf)  }
0x212: {  	s14 =	ssub.f32 $1.200000000e+01, s15;
	v0 =	vsel vm8, s0, v0;
	s18 =	spop (v2sf)  }
0x213: {  	s0 =	ssub.f32 $1.200000000e+01, s18;
	v0 =	vsel vm9, s1, v0;
	s19 =	spop (v2sf)  }
0x214: {  	s1 =	ssub.f32 $1.200000000e+01, s19;
	v0 =	vsel vm10, s14, v0;
	s15 =	spop (v2sf)  }
0x215: {  	s14 =	ssub.f32 $1.200000000e+01, s15;
	v0 =	vsel vm11, s0, v0;
	s18 =	spop (v2sf)  }
.Ltmp5:
0x216: {  	s19 =	sadd.s32 s6, s31;
	s0 =	ssub.f32 $1.200000000e+01, s18;
	v0 =	vsel vm12, s1, v0;
	(pc) =	sbr.rel @p1 .LBB2_10-.Ltmp5, $4  }
0x217: {  	s1 =	sshll.u32 s19, $0x4;
	v0 =	vsel vm13, s14, v0  }
0x218: {  	s30 =	sshra.s32 s30, $0x2;
	s1 =	sand.u32 $0x1FFFFFF0, s1;
	v0 =	vsel vm14, s0, v0  }
0x219: {  	s31 =	sadd.s32 s5, s1;
	[tilespmem:s30+$0x70C0] =	vst v0  }
0x21a: {  	[hbm4b:s31+s2] =	stream.linear.scatter [tilespmem:s24], [sflag:$0x4], $0x80, $0x38;
	[tilespmem:$0x7140] =	vst v63  }
.Ltmp6:
0x21b: {  	(pc) =	sbr.rel .LBB2_4-.Ltmp6, $4  }
0x21c: {  	s0 =	sshll.u32 s29, $0x8  }
0x21d: {  	s0 =	sand.u32 $0x3FFFFF00, s0  }
0x21e: {  	s29 =	sadd.s32 $0x1, s29;
	s0 =	sadd.s32 $0x11C0, s0  }
0x21f: {  	[tilespmem:s20], [sflag:$0x2] =	stream.indirect.gather [hbm4b:s3+s17], $0x40, s0, s17, $0xb8;
	[tilespmem:$0x7140] =	vst v63  }
.LBB2_11:
0x220: {  	_ =	sfence.sel $0x180000  }
0x221: {  	[bflag:$0x0] =	sbarrier.arrive $0xFFFF  }
0x222: {  	_ =	strace $0x90000047  }
0x223: {  	s0 =	stileid.u32;
	[bflag:$0x2] =	sbarrier.arrive $0xFFFF  }
0x224: {  	p0 =	sne.s32 s0, $0x0;
	s0 =	rddreg [dreg:$0x2]  }
0x225: {  	s0 =	sadd.s32 @!p0 $0x100000, s0  }
0x226: {  	[sflag:s0] =	ssyncadd.tile.s32 @!p0 $0x1;
	_ =	shalt  }
.Lfunc_end2:
_tile_overlayer_lowered:
.L_overlay_start_2:
0x227: {  	(tag) =	ssettag $0x2  }
0x228: {  	s0 =	rddreg [dreg:$0x0];
	s2 =	stileid.u32  }
0x229: {  	s1 =	rddreg [dreg:$0x1];
	p0 =	sne.s32 s2, $0x0  }
0x22a: {  	s3 =	rddreg [dreg:$0x2];
	[bflag:$0x3] =	sbarrier.arrive $0xFFFF;
	s2 =	simm.s32 @!p0 $0x1C06  }
0x22b: {  	[timem:s3], [sflag:s2] =	dma.local @!p0 [hbm:s0], s1  }
0x22c: {  	s0 =	simm.s32 @!p0 $0x6  }
0x22d: {  	_ =	swait.ge @!p0 [sflag:s0], s1  }
0x22e: {  	s1 =	ssub.s32 @!p0 $0x0, s1;
	[sflag:s0] =	ssyncset.done @!p0 $0x0  }
0x22f: {  	[sflag:s0] =	ssyncadd.s32 @!p0 s1  }
0x230: {  	[bflag:$0x3] =	sbarrier.arrive $0xFFFF  }
0x231: {  	_ =	shalt  }

</sc_bundles>
